<compile_context>
chip_gen: v7x
topology: tpu7x:2x2x1
jax: 0.10.2.dev20260603
libtpu: 0.0.44.dev20260713+nightly
codegen_flags: <defaults>
</compile_context>

<pallas_src>
import jax
import jax.numpy as jnp
from jax import lax
from jax.experimental import pallas as pl
from jax.experimental.pallas import tpu as pltpu
from jax.experimental.pallas import tpu_sc as plsc

_NB = 16384
_S = 50
_D = 32
_T = 128
_NT = _NB // _T
_NW = 32
_TPW = _NT // _NW
_SP = _S // 2


def _body(x_hbm, tab_hbm, out_hbm, xblk, idxs_v, rows_v, tblk, sem_g, sem_o):
    wid = lax.axis_index("s") * 2 + lax.axis_index("c")
    iota = lax.iota(jnp.int32, 16)
    rowsel = [g * 16 + iota for g in range(8)]

    def extract(s, sl):
        colsel = jnp.full((16,), s, dtype=jnp.int32)
        idx_sl = idxs_v.at[sl]

        @plsc.parallel_loop(0, 8, step=1, unroll=8)
        def _(g):
            v = plsc.load_gather(xblk, [g * 16 + iota, colsel])
            idx_sl[pl.ds(g * 16, 16)] = v

    def fire_gather(sl):
        pltpu.async_copy(tab_hbm.at[idxs_v.at[sl]], rows_v.at[sl],
                         sem_g.at[sl])

    def wait_gather(sl):
        pltpu.make_async_copy(tab_hbm.at[idxs_v.at[sl]], rows_v.at[sl],
                              sem_g.at[sl]).wait()

    def wait_out(sl):
        pltpu.make_async_copy(tblk.at[0, :, :, pl.ds(0, _T)],
                              out_hbm.at[0, :, 0], sem_o.at[sl]).wait()

    u_half = [(iota + h * 16) // 8 for h in (0, 1)]
    ci_half = [(iota + h * 16) % 8 for h in (0, 1)]

    def transpose(sl):
        rows_sl = rows_v.at[sl]
        tb = tblk.at[sl]

        @plsc.parallel_loop(0, _T, step=1, unroll=16)
        def _(b):
            bs = jnp.full((16,), b, dtype=jnp.int32)
            for h in (0, 1):
                v = rows_sl[b, pl.ds(h * 16, 16)]
                plsc.store_scatter(tb, [u_half[h], ci_half[h], bs], v)

    def t_body(lt, carry):
        t = wid * _TPW + lt
        pltpu.sync_copy(x_hbm.at[pl.ds(t * _T, _T), :], xblk)
        extract(0, 0)
        fire_gather(0)
        extract(1, 1)
        fire_gather(1)

        def pair(i, c2):
            s0 = 2 * i
            for j in (0, 1):
                s = s0 + j
                wait_gather(j)

                @pl.when(jnp.logical_or(i >= 1, lt > 0))
                def _():
                    wait_out(j)

                transpose(j)
                pltpu.async_copy(tblk.at[j, :, :, pl.ds(0, _T)],
                                 out_hbm.at[s, :, t], sem_o.at[j])

                @pl.when(s + 2 < _S)
                def _():
                    extract(s + 2, j)
                    fire_gather(j)

            return c2

        lax.fori_loop(0, _SP, pair, 0)
        return carry

    lax.fori_loop(0, _TPW, t_body, 0)
    wait_out(0)
    wait_out(1)


_mesh = plsc.VectorSubcoreMesh(core_axis_name="c", subcore_axis_name="s")


@jax.jit
def kernel(x, spa_emb_weight):
    out6 = pl.kernel(
        _body,
        out_type=jax.ShapeDtypeStruct((_S, _D // 8, _NT, 8, _T), jnp.float32),
        mesh=_mesh,
        scratch_types=[
            pltpu.VMEM((_T, _S), jnp.int32),
            pltpu.VMEM((2, _T), jnp.int32),
            pltpu.VMEM((2, _T, _D), jnp.float32),
            pltpu.VMEM((2, _D // 8, 8, _T + 1), jnp.float32),
            pltpu.SemaphoreType.DMA((2,)),
            pltpu.SemaphoreType.DMA((2,)),
        ],
        compiler_params=pltpu.CompilerParams(
            use_tc_tiling_on_sc=False, needs_layout_passes=False),
    )(x, spa_emb_weight)
    return out6.transpose(2, 4, 0, 1, 3).reshape(_NB, _S, _D)

# --- scband reference (transcript-rebuilt; emitter-appended) ---
"""Pipeline reference for scband-spatial-embedding-15994458210528 (READ-ONLY COPY).

The authoritative reference and input builder live on the scoring server;
editing this copy changes nothing except your own understanding.
"""

import jax, jax.numpy as jnp
import numpy as np


def setup_inputs(seed: int = 0) -> dict:
    key = jax.random.key(seed)
    k1, k2 = jax.random.split(key)
    x = jax.random.randint(k1, (16384, 50), 0, 1000000, dtype=jnp.int64 if jax.config.jax_enable_x64 else jnp.int32)
    spa_emb_weight = jax.random.normal(k2, (1000000, 32), dtype=jnp.float32)
    return {"x": x, "spa_emb_weight": spa_emb_weight}


def reference(x, spa_emb_weight):
    # x = x.long(); spa_emb = self.spa_emb(x)
    idx = x.astype(jnp.int32)
    spa_emb = jnp.take(spa_emb_weight, idx, axis=0)
    return spa_emb

if __name__ == "__main__":
    import jax
    _d = setup_inputs()
    print(jax.jit(kernel)(*tuple(_d.values())))

</pallas_src>

<mosaic_0001>
#map = affine_map<(d0, d1) -> (0, 0)>
#map1 = affine_map<(d0, d1) -> (0, 0, 0, 0, 0)>
module attributes {stable_mosaic.version = 14 : i64} {
  func.func @_body(%arg0: i32, %arg1: i32, %arg2: memref<16384x50xi32, #tpu.memory_space<hbm>>, %arg3: memref<1000000x32xf32, #tpu.memory_space<hbm>>, %arg4: memref<50x4x128x8x128xf32, #tpu.memory_space<hbm>>, %arg5: memref<128x50xi32, #tpu.memory_space<vmem>>, %arg6: memref<2x128xi32, #tpu.memory_space<vmem>>, %arg7: memref<2x128x32xf32, #tpu.memory_space<vmem>>, %arg8: memref<2x4x8x129xf32, #tpu.memory_space<vmem>>, %arg9: memref<2x!tpu.dma_semaphore, #tpu.memory_space<semaphore_mem>>, %arg10: memref<2x!tpu.dma_semaphore, #tpu.memory_space<semaphore_mem>>) attributes {dimension_semantics = [#tpu.dimension_semantics<core_parallel>, #tpu.dimension_semantics<subcore_parallel>], iteration_bounds = array<i64: 2, 16>, scalar_prefetch = 0 : i64, scratch_operands = 6 : i64, tpu.core_type = #tpu.core_type<sc_vector_subcore>, window_params = [{transform_indices = #map}, {transform_indices = #map}, {transform_indices = #map1}]} {
    %mul3A = arith.constant 2 : i32
    %mul3A_0 = arith.muli %arg1, %mul3A : i32
    %add3A = arith.addi %mul3A_0, %arg0 : i32
    %iota3A = tpu.iota {dimensions = array<i32: 0>} : vector<16xi32>
    %add3A_1 = arith.constant 0 : i32
    %add3A_2 = vector.broadcast %add3A_1 : i32 to vector<16xi32>
    %add3A_3 = arith.addi %add3A_2, %iota3A : vector<16xi32>
    %add3A_4 = arith.constant 16 : i32
    %add3A_5 = vector.broadcast %add3A_4 : i32 to vector<16xi32>
    %add3A_6 = arith.addi %add3A_5, %iota3A : vector<16xi32>
    %add3A_7 = arith.constant 32 : i32
    %add3A_8 = vector.broadcast %add3A_7 : i32 to vector<16xi32>
    %add3A_9 = arith.addi %add3A_8, %iota3A : vector<16xi32>
    %add3A_10 = arith.constant 48 : i32
    %add3A_11 = vector.broadcast %add3A_10 : i32 to vector<16xi32>
    %add3A_12 = arith.addi %add3A_11, %iota3A : vector<16xi32>
    %add3A_13 = arith.constant 64 : i32
    %add3A_14 = vector.broadcast %add3A_13 : i32 to vector<16xi32>
    %add3A_15 = arith.addi %add3A_14, %iota3A : vector<16xi32>
    %add3A_16 = arith.constant 80 : i32
    %add3A_17 = vector.broadcast %add3A_16 : i32 to vector<16xi32>
    %add3A_18 = arith.addi %add3A_17, %iota3A : vector<16xi32>
    %add3A_19 = arith.constant 96 : i32
    %add3A_20 = vector.broadcast %add3A_19 : i32 to vector<16xi32>
    %add3A_21 = arith.addi %add3A_20, %iota3A : vector<16xi32>
    %add3A_22 = arith.constant 112 : i32
    %add3A_23 = vector.broadcast %add3A_22 : i32 to vector<16xi32>
    %add3A_24 = arith.addi %add3A_23, %iota3A : vector<16xi32>
    %add3A_25 = arith.constant 0 : i32
    %add3A_26 = vector.broadcast %add3A_25 : i32 to vector<16xi32>
    %add3A_27 = arith.addi %iota3A, %add3A_26 : vector<16xi32>
    %jit3A = arith.constant 8 : i32
    %div3A = vector.broadcast %jit3A : i32 to vector<16xi32>
    %div3A_28 = arith.divsi %add3A_27, %div3A : vector<16xi32>
    %sign3A = arith.constant 0 : i32
    %sign3A_29 = vector.broadcast %sign3A : i32 to vector<16xi32>
    %sign3A_30 = arith.cmpi sgt, %add3A_27, %sign3A_29 : vector<16xi32>
    %sign3A_31 = arith.extui %sign3A_30 : vector<16xi1> to vector<16xi32>
    %sign3A_32 = arith.constant 0 : i32
    %sign3A_33 = vector.broadcast %sign3A_32 : i32 to vector<16xi32>
    %sign3A_34 = arith.cmpi slt, %add3A_27, %sign3A_33 : vector<16xi32>
    %sign3A_35 = arith.extui %sign3A_34 : vector<16xi1> to vector<16xi32>
    %sign3A_36 = arith.subi %sign3A_31, %sign3A_35 : vector<16xi32>
    %sign3A_37 = arith.constant 0 : i32
    %sign3A_38 = arith.cmpi sgt, %jit3A, %sign3A_37 : i32
    %sign3A_39 = arith.extui %sign3A_38 : i1 to i32
    %sign3A_40 = arith.constant 0 : i32
    %sign3A_41 = arith.cmpi slt, %jit3A, %sign3A_40 : i32
    %sign3A_42 = arith.extui %sign3A_41 : i1 to i32
    %sign3A_43 = arith.subi %sign3A_39, %sign3A_42 : i32
    %ne3A = vector.broadcast %sign3A_43 : i32 to vector<16xi32>
    %ne3A_44 = arith.cmpi ne, %sign3A_36, %ne3A : vector<16xi32>
    %rem3A = vector.broadcast %jit3A : i32 to vector<16xi32>
    %rem3A_45 = arith.remsi %add3A_27, %rem3A : vector<16xi32>
    %ne3A_46 = arith.constant 0 : i32
    %ne3A_47 = vector.broadcast %ne3A_46 : i32 to vector<16xi32>
    %ne3A_48 = arith.cmpi ne, %rem3A_45, %ne3A_47 : vector<16xi32>
    %and3A = arith.andi %ne3A_44, %ne3A_48 : vector<16xi1>
    %sub3A = arith.constant 1 : i32
    %sub3A_49 = vector.broadcast %sub3A : i32 to vector<16xi32>
    %sub3A_50 = arith.subi %div3A_28, %sub3A_49 : vector<16xi32>
    %select_n3A = arith.select %and3A, %sub3A_50, %div3A_28 : vector<16xi1>, vector<16xi32>
    %add3A_51 = arith.constant 16 : i32
    %add3A_52 = vector.broadcast %add3A_51 : i32 to vector<16xi32>
    %add3A_53 = arith.addi %iota3A, %add3A_52 : vector<16xi32>
    %jit3A_54 = arith.constant 8 : i32
    %div3A_55 = vector.broadcast %jit3A_54 : i32 to vector<16xi32>
    %div3A_56 = arith.divsi %add3A_53, %div3A_55 : vector<16xi32>
    %sign3A_57 = arith.constant 0 : i32
    %sign3A_58 = vector.broadcast %sign3A_57 : i32 to vector<16xi32>
    %sign3A_59 = arith.cmpi sgt, %add3A_53, %sign3A_58 : vector<16xi32>
    %sign3A_60 = arith.extui %sign3A_59 : vector<16xi1> to vector<16xi32>
    %sign3A_61 = arith.constant 0 : i32
    %sign3A_62 = vector.broadcast %sign3A_61 : i32 to vector<16xi32>
    %sign3A_63 = arith.cmpi slt, %add3A_53, %sign3A_62 : vector<16xi32>
    %sign3A_64 = arith.extui %sign3A_63 : vector<16xi1> to vector<16xi32>
    %sign3A_65 = arith.subi %sign3A_60, %sign3A_64 : vector<16xi32>
    %sign3A_66 = arith.constant 0 : i32
    %sign3A_67 = arith.cmpi sgt, %jit3A_54, %sign3A_66 : i32
    %sign3A_68 = arith.extui %sign3A_67 : i1 to i32
    %sign3A_69 = arith.constant 0 : i32
    %sign3A_70 = arith.cmpi slt, %jit3A_54, %sign3A_69 : i32
    %sign3A_71 = arith.extui %sign3A_70 : i1 to i32
    %sign3A_72 = arith.subi %sign3A_68, %sign3A_71 : i32
    %ne3A_73 = vector.broadcast %sign3A_72 : i32 to vector<16xi32>
    %ne3A_74 = arith.cmpi ne, %sign3A_65, %ne3A_73 : vector<16xi32>
    %rem3A_75 = vector.broadcast %jit3A_54 : i32 to vector<16xi32>
    %rem3A_76 = arith.remsi %add3A_53, %rem3A_75 : vector<16xi32>
    %ne3A_77 = arith.constant 0 : i32
    %ne3A_78 = vector.broadcast %ne3A_77 : i32 to vector<16xi32>
    %ne3A_79 = arith.cmpi ne, %rem3A_76, %ne3A_78 : vector<16xi32>
    %and3A_80 = arith.andi %ne3A_74, %ne3A_79 : vector<16xi1>
    %sub3A_81 = arith.constant 1 : i32
    %sub3A_82 = vector.broadcast %sub3A_81 : i32 to vector<16xi32>
    %sub3A_83 = arith.subi %div3A_56, %sub3A_82 : vector<16xi32>
    %select_n3A_84 = arith.select %and3A_80, %sub3A_83, %div3A_56 : vector<16xi1>, vector<16xi32>
    %add3A_85 = arith.constant 0 : i32
    %add3A_86 = vector.broadcast %add3A_85 : i32 to vector<16xi32>
    %add3A_87 = arith.addi %iota3A, %add3A_86 : vector<16xi32>
    %jit3A_88 = arith.constant 8 : i32
    %eq3A = arith.constant 0 : i32
    %eq3A_89 = arith.cmpi eq, %jit3A_88, %eq3A : i32
    %jit3A_90 = arith.constant 1 : i32
    %select_n3A_91 = arith.select %eq3A_89, %jit3A_90, %jit3A_88 : i32
    %rem3A_92 = vector.broadcast %select_n3A_91 : i32 to vector<16xi32>
    %rem3A_93 = arith.remsi %add3A_87, %rem3A_92 : vector<16xi32>
    %ne3A_94 = arith.constant 0 : i32
    %ne3A_95 = vector.broadcast %ne3A_94 : i32 to vector<16xi32>
    %ne3A_96 = arith.cmpi ne, %rem3A_93, %ne3A_95 : vector<16xi32>
    %lt3A = arith.constant 0 : i32
    %lt3A_97 = vector.broadcast %lt3A : i32 to vector<16xi32>
    %lt3A_98 = arith.cmpi slt, %rem3A_93, %lt3A_97 : vector<16xi32>
    %lt3A_99 = arith.constant 0 : i32
    %lt3A_100 = arith.cmpi slt, %select_n3A_91, %lt3A_99 : i32
    %ne3A_101 = vector.broadcast %lt3A_100 : i1 to vector<16xi1>
    %ne3A_102 = vector.broadcast %ne3A_101 : vector<16xi1> to vector<16xi1>
    %ne3A_103 = arith.xori %lt3A_98, %ne3A_102 : vector<16xi1>
    %and3A_104 = arith.andi %ne3A_103, %ne3A_96 : vector<16xi1>
    %add3A_105 = vector.broadcast %select_n3A_91 : i32 to vector<16xi32>
    %add3A_106 = arith.addi %rem3A_93, %add3A_105 : vector<16xi32>
    %select_n3A_107 = arith.select %and3A_104, %add3A_106, %rem3A_93 : vector<16xi1>, vector<16xi32>
    %add3A_108 = arith.constant 16 : i32
    %add3A_109 = vector.broadcast %add3A_108 : i32 to vector<16xi32>
    %add3A_110 = arith.addi %iota3A, %add3A_109 : vector<16xi32>
    %jit3A_111 = arith.constant 8 : i32
    %eq3A_112 = arith.constant 0 : i32
    %eq3A_113 = arith.cmpi eq, %jit3A_111, %eq3A_112 : i32
    %jit3A_114 = arith.constant 1 : i32
    %select_n3A_115 = arith.select %eq3A_113, %jit3A_114, %jit3A_111 : i32
    %rem3A_116 = vector.broadcast %select_n3A_115 : i32 to vector<16xi32>
    %rem3A_117 = arith.remsi %add3A_110, %rem3A_116 : vector<16xi32>
    %ne3A_118 = arith.constant 0 : i32
    %ne3A_119 = vector.broadcast %ne3A_118 : i32 to vector<16xi32>
    %ne3A_120 = arith.cmpi ne, %rem3A_117, %ne3A_119 : vector<16xi32>
    %lt3A_121 = arith.constant 0 : i32
    %lt3A_122 = vector.broadcast %lt3A_121 : i32 to vector<16xi32>
    %lt3A_123 = arith.cmpi slt, %rem3A_117, %lt3A_122 : vector<16xi32>
    %lt3A_124 = arith.constant 0 : i32
    %lt3A_125 = arith.cmpi slt, %select_n3A_115, %lt3A_124 : i32
    %ne3A_126 = vector.broadcast %lt3A_125 : i1 to vector<16xi1>
    %ne3A_127 = vector.broadcast %ne3A_126 : vector<16xi1> to vector<16xi1>
    %ne3A_128 = arith.xori %lt3A_123, %ne3A_127 : vector<16xi1>
    %and3A_129 = arith.andi %ne3A_128, %ne3A_120 : vector<16xi1>
    %add3A_130 = vector.broadcast %select_n3A_115 : i32 to vector<16xi32>
    %add3A_131 = arith.addi %rem3A_117, %add3A_130 : vector<16xi32>
    %select_n3A_132 = arith.select %and3A_129, %add3A_131, %rem3A_117 : vector<16xi1>, vector<16xi32>
    %scan3A = arith.constant 0 : i32
    %scan3A_133 = arith.constant 0 : i32
    %scan3A_134 = arith.constant 4 : i32
    %scan3A_135 = arith.addi %scan3A_133, %scan3A_134 : i32
    %scan3A_136 = arith.constant 1 : i32
    scf.for %scan3A_189 = %scan3A_133 to %scan3A_135 step %scan3A_136  : i32 {
      %mul3A_190 = arith.constant 4 : i32
      %mul3A_191 = arith.muli %add3A, %mul3A_190 : i32
      %add3A_192 = arith.addi %mul3A_191, %scan3A_189 : i32
      %mul3A_193 = arith.constant 128 : i32
      %mul3A_194 = arith.muli %add3A_192, %mul3A_193 : i32
      "tpu.region"() ({
        %run_scoped3A = tpu.sem_alloc : memref<!tpu.dma_semaphore, #tpu.memory_space<semaphore_mem>>
        %dma_start3A_240 = arith.constant 0 : i32
        %dma_start3A_241 = tpu.memref_slice %arg2[%mul3A_194, %dma_start3A_240] : memref<16384x50xi32, #tpu.memory_space<hbm>> -> memref<128x50xi32, #tpu.memory_space<hbm>>
        %dma_start3A_242 = arith.constant 0 : i32
        %dma_start3A_243 = tpu.memref_slice %arg2[%mul3A_194, %dma_start3A_242] : memref<16384x50xi32, #tpu.memory_space<hbm>> -> memref<128x50xi32, #tpu.memory_space<hbm>>
        tpu.enqueue_dma source(%dma_start3A_243 : memref<128x50xi32, #tpu.memory_space<hbm>>) target(%arg5 : memref<128x50xi32, #tpu.memory_space<vmem>>) target_semaphore(%run_scoped3A : memref<!tpu.dma_semaphore, #tpu.memory_space<semaphore_mem>>)
        %dma_wait3A_244 = arith.constant 0 : i32
        %dma_wait3A_245 = tpu.memref_slice %arg2[%mul3A_194, %dma_wait3A_244] : memref<16384x50xi32, #tpu.memory_space<hbm>> -> memref<128x50xi32, #tpu.memory_space<hbm>>
        %dma_wait3A_246 = arith.constant 0 : i32
        %dma_wait3A_247 = tpu.memref_slice %arg2[%mul3A_194, %dma_wait3A_246] : memref<16384x50xi32, #tpu.memory_space<hbm>> -> memref<128x50xi32, #tpu.memory_space<hbm>>
        tpu.wait_dma2 semaphore(%run_scoped3A : memref<!tpu.dma_semaphore, #tpu.memory_space<semaphore_mem>>) src(%dma_wait3A_247 : memref<128x50xi32, #tpu.memory_space<hbm>>) dst(%arg5 : memref<128x50xi32, #tpu.memory_space<vmem>>)
        tpu.yield
      }) : () -> ()
      %broadcast_in_dim3A = arith.constant 0 : i32
      %broadcast_in_dim3A_195 = vector.broadcast %broadcast_in_dim3A : i32 to vector<16xi32>
      %parallel_loop3A = arith.constant 0 : i32
      %parallel_loop3A_196 = arith.constant 8 : i32
      %parallel_loop3A_197 = arith.constant 1 : i32
      %parallel_loop3A_198 = arith.constant 0 : i32
      scf.for %parallel_loop3A_240 = %parallel_loop3A to %parallel_loop3A_196 step %parallel_loop3A_197  : i32 {
        %parallel_loop3A_241 = arith.constant 16 : i32
        %parallel_loop3A_242 = arith.muli %parallel_loop3A_240, %parallel_loop3A_241 : i32
        %parallel_loop3A_243 = vector.broadcast %parallel_loop3A_242 : i32 to vector<16xi32>
        %parallel_loop3A_244 = arith.addi %parallel_loop3A_243, %iota3A : vector<16xi32>
        %parallel_loop3A_245 = tpu.vector_load_idx %arg5[%parallel_loop3A_244, %broadcast_in_dim3A_195] : memref<128x50xi32, #tpu.memory_space<vmem>>[vector<16xi32>, vector<16xi32>], vector<16xi32>,
        %parallel_loop3A_246 = arith.constant 16 : i32
        %parallel_loop3A_247 = arith.muli %parallel_loop3A_240, %parallel_loop3A_246 : i32
        %parallel_loop3A_248 = arith.constant 0 : i32
        %parallel_loop3A_249 = tpu.memref_slice %arg6[%parallel_loop3A_198, %parallel_loop3A_248] : memref<2x128xi32, #tpu.memory_space<vmem>> -> memref<1x128xi32, #tpu.memory_space<vmem>>
        %parallel_loop3A_250 = tpu.memref_squeeze %parallel_loop3A_249 : memref<1x128xi32, #tpu.memory_space<vmem>> -> memref<128xi32, #tpu.memory_space<vmem>>
        %parallel_loop3A_251 = arith.index_cast %parallel_loop3A_247 : i32 to index
        %parallel_loop3A_252 = tpu.vector_load %parallel_loop3A_250[%parallel_loop3A_251] {strides = array<i32>} : memref<128xi32, #tpu.memory_space<vmem>>, vector<16xi32>,
        tpu.vector_store %parallel_loop3A_250[%parallel_loop3A_251], %parallel_loop3A_245 {strides = array<i32>} : memref<128xi32, #tpu.memory_space<vmem>>, vector<16xi32>,
      } {sc.loop_unroll_factor = 8 : i64, sc.parallel_access}
      %dma_start3A = arith.constant 0 : i32
      %dma_start3A_199 = arith.constant 0 : i32
      %dma_start3A_200 = arith.constant 0 : i32
      %dma_start3A_201 = arith.constant 0 : i32
      %dma_start3A_202 = arith.constant 0 : i32
      %dma_start3A_203 = tpu.memref_slice %arg7[%dma_start3A_199, %dma_start3A_201, %dma_start3A_202] : memref<2x128x32xf32, #tpu.memory_space<vmem>> -> memref<1x128x32xf32, #tpu.memory_space<vmem>>
      %dma_start3A_204 = tpu.memref_squeeze %dma_start3A_203 : memref<1x128x32xf32, #tpu.memory_space<vmem>> -> memref<128x32xf32, #tpu.memory_space<vmem>>
      %dma_start3A_205 = arith.constant 0 : i32
      %dma_start3A_206 = tpu.memref_slice %arg6[%dma_start3A, %dma_start3A_205] : memref<2x128xi32, #tpu.memory_space<vmem>> -> memref<1x128xi32, #tpu.memory_space<vmem>>
      %dma_start3A_207 = tpu.memref_squeeze %dma_start3A_206 : memref<1x128xi32, #tpu.memory_space<vmem>> -> memref<128xi32, #tpu.memory_space<vmem>>
      %dma_start3A_208 = arith.constant 0 : i32
      %dma_start3A_209 = arith.constant 0 : i32
      %dma_start3A_210 = tpu.memref_slice %arg3[%dma_start3A_208, %dma_start3A_209] : memref<1000000x32xf32, #tpu.memory_space<hbm>> -> memref<1000000x32xf32, #tpu.memory_space<hbm>>
      %dma_start3A_211 = tpu.memref_slice %arg9[%dma_start3A_200] : memref<2x!tpu.dma_semaphore, #tpu.memory_space<semaphore_mem>> -> memref<1x!tpu.dma_semaphore, #tpu.memory_space<semaphore_mem>>
      %dma_start3A_212 = tpu.memref_squeeze %dma_start3A_211 : memref<1x!tpu.dma_semaphore, #tpu.memory_space<semaphore_mem>> -> memref<!tpu.dma_semaphore, #tpu.memory_space<semaphore_mem>>
      tpu.enqueue_indirect_dma source(%dma_start3A_210 : memref<1000000x32xf32, #tpu.memory_space<hbm>>) target(%dma_start3A_204 : memref<128x32xf32, #tpu.memory_space<vmem>>) offsets(%dma_start3A_207 : memref<128xi32, #tpu.memory_space<vmem>>) semaphore(%dma_start3A_212 : memref<!tpu.dma_semaphore, #tpu.memory_space<semaphore_mem>>)
      %broadcast_in_dim3A_213 = arith.constant 1 : i32
      %broadcast_in_dim3A_214 = vector.broadcast %broadcast_in_dim3A_213 : i32 to vector<16xi32>
      %parallel_loop3A_215 = arith.constant 0 : i32
      %parallel_loop3A_216 = arith.constant 8 : i32
      %parallel_loop3A_217 = arith.constant 1 : i32
      %parallel_loop3A_218 = arith.constant 1 : i32
      scf.for %parallel_loop3A_240 = %parallel_loop3A_215 to %parallel_loop3A_216 step %parallel_loop3A_217  : i32 {
        %parallel_loop3A_241 = arith.constant 16 : i32
        %parallel_loop3A_242 = arith.muli %parallel_loop3A_240, %parallel_loop3A_241 : i32
        %parallel_loop3A_243 = vector.broadcast %parallel_loop3A_242 : i32 to vector<16xi32>
        %parallel_loop3A_244 = arith.addi %parallel_loop3A_243, %iota3A : vector<16xi32>
        %parallel_loop3A_245 = tpu.vector_load_idx %arg5[%parallel_loop3A_244, %broadcast_in_dim3A_214] : memref<128x50xi32, #tpu.memory_space<vmem>>[vector<16xi32>, vector<16xi32>], vector<16xi32>,
        %parallel_loop3A_246 = arith.constant 16 : i32
        %parallel_loop3A_247 = arith.muli %parallel_loop3A_240, %parallel_loop3A_246 : i32
        %parallel_loop3A_248 = arith.constant 0 : i32
        %parallel_loop3A_249 = tpu.memref_slice %arg6[%parallel_loop3A_218, %parallel_loop3A_248] : memref<2x128xi32, #tpu.memory_space<vmem>> -> memref<1x128xi32, #tpu.memory_space<vmem>>
        %parallel_loop3A_250 = tpu.memref_squeeze %parallel_loop3A_249 : memref<1x128xi32, #tpu.memory_space<vmem>> -> memref<128xi32, #tpu.memory_space<vmem>>
        %parallel_loop3A_251 = arith.index_cast %parallel_loop3A_247 : i32 to index
        %parallel_loop3A_252 = tpu.vector_load %parallel_loop3A_250[%parallel_loop3A_251] {strides = array<i32>} : memref<128xi32, #tpu.memory_space<vmem>>, vector<16xi32>,
        tpu.vector_store %parallel_loop3A_250[%parallel_loop3A_251], %parallel_loop3A_245 {strides = array<i32>} : memref<128xi32, #tpu.memory_space<vmem>>, vector<16xi32>,
      } {sc.loop_unroll_factor = 8 : i64, sc.parallel_access}
      %dma_start3A_219 = arith.constant 1 : i32
      %dma_start3A_220 = arith.constant 1 : i32
      %dma_start3A_221 = arith.constant 1 : i32
      %dma_start3A_222 = arith.constant 0 : i32
      %dma_start3A_223 = arith.constant 0 : i32
      %dma_start3A_224 = tpu.memref_slice %arg7[%dma_start3A_220, %dma_start3A_222, %dma_start3A_223] : memref<2x128x32xf32, #tpu.memory_space<vmem>> -> memref<1x128x32xf32, #tpu.memory_space<vmem>>
      %dma_start3A_225 = tpu.memref_squeeze %dma_start3A_224 : memref<1x128x32xf32, #tpu.memory_space<vmem>> -> memref<128x32xf32, #tpu.memory_space<vmem>>
      %dma_start3A_226 = arith.constant 0 : i32
      %dma_start3A_227 = tpu.memref_slice %arg6[%dma_start3A_219, %dma_start3A_226] : memref<2x128xi32, #tpu.memory_space<vmem>> -> memref<1x128xi32, #tpu.memory_space<vmem>>
      %dma_start3A_228 = tpu.memref_squeeze %dma_start3A_227 : memref<1x128xi32, #tpu.memory_space<vmem>> -> memref<128xi32, #tpu.memory_space<vmem>>
      %dma_start3A_229 = arith.constant 0 : i32
      %dma_start3A_230 = arith.constant 0 : i32
      %dma_start3A_231 = tpu.memref_slice %arg3[%dma_start3A_229, %dma_start3A_230] : memref<1000000x32xf32, #tpu.memory_space<hbm>> -> memref<1000000x32xf32, #tpu.memory_space<hbm>>
      %dma_start3A_232 = tpu.memref_slice %arg9[%dma_start3A_221] : memref<2x!tpu.dma_semaphore, #tpu.memory_space<semaphore_mem>> -> memref<1x!tpu.dma_semaphore, #tpu.memory_space<semaphore_mem>>
      %dma_start3A_233 = tpu.memref_squeeze %dma_start3A_232 : memref<1x!tpu.dma_semaphore, #tpu.memory_space<semaphore_mem>> -> memref<!tpu.dma_semaphore, #tpu.memory_space<semaphore_mem>>
      tpu.enqueue_indirect_dma source(%dma_start3A_231 : memref<1000000x32xf32, #tpu.memory_space<hbm>>) target(%dma_start3A_225 : memref<128x32xf32, #tpu.memory_space<vmem>>) offsets(%dma_start3A_228 : memref<128xi32, #tpu.memory_space<vmem>>) semaphore(%dma_start3A_233 : memref<!tpu.dma_semaphore, #tpu.memory_space<semaphore_mem>>)
      %scan3A_234 = arith.constant 0 : i32
      %scan3A_235 = arith.constant 0 : i32
      %scan3A_236 = arith.constant 25 : i32
      %scan3A_237 = arith.addi %scan3A_235, %scan3A_236 : i32
      %scan3A_238 = arith.constant 1 : i32
      scf.for %scan3A_240 = %scan3A_235 to %scan3A_237 step %scan3A_238  : i32 {
        %mul3A_241 = arith.constant 2 : i32
        %mul3A_242 = arith.muli %mul3A_241, %scan3A_240 : i32
        %add3A_243 = arith.constant 0 : i32
        %add3A_244 = arith.addi %mul3A_242, %add3A_243 : i32
        %dma_wait3A_245 = arith.constant 0 : i32
        %dma_wait3A_246 = arith.constant 0 : i32
        %dma_wait3A_247 = arith.constant 0 : i32
        %dma_wait3A_248 = arith.constant 0 : i32
        %dma_wait3A_249 = arith.constant 0 : i32
        %dma_wait3A_250 = tpu.memref_slice %arg7[%dma_wait3A_246, %dma_wait3A_248, %dma_wait3A_249] : memref<2x128x32xf32, #tpu.memory_space<vmem>> -> memref<1x128x32xf32, #tpu.memory_space<vmem>>
        %dma_wait3A_251 = tpu.memref_squeeze %dma_wait3A_250 : memref<1x128x32xf32, #tpu.memory_space<vmem>> -> memref<128x32xf32, #tpu.memory_space<vmem>>
        %dma_wait3A_252 = arith.constant 0 : i32
        %dma_wait3A_253 = tpu.memref_slice %arg6[%dma_wait3A_245, %dma_wait3A_252] : memref<2x128xi32, #tpu.memory_space<vmem>> -> memref<1x128xi32, #tpu.memory_space<vmem>>
        %dma_wait3A_254 = tpu.memref_squeeze %dma_wait3A_253 : memref<1x128xi32, #tpu.memory_space<vmem>> -> memref<128xi32, #tpu.memory_space<vmem>>
        %dma_wait3A_255 = arith.constant 0 : i32
        %dma_wait3A_256 = arith.constant 0 : i32
        %dma_wait3A_257 = tpu.memref_slice %arg3[%dma_wait3A_255, %dma_wait3A_256] : memref<1000000x32xf32, #tpu.memory_space<hbm>> -> memref<1000000x32xf32, #tpu.memory_space<hbm>>
        %dma_wait3A_258 = tpu.memref_slice %arg9[%dma_wait3A_247] : memref<2x!tpu.dma_semaphore, #tpu.memory_space<semaphore_mem>> -> memref<1x!tpu.dma_semaphore, #tpu.memory_space<semaphore_mem>>
        %dma_wait3A_259 = tpu.memref_squeeze %dma_wait3A_258 : memref<1x!tpu.dma_semaphore, #tpu.memory_space<semaphore_mem>> -> memref<!tpu.dma_semaphore, #tpu.memory_space<semaphore_mem>>
        tpu.wait_indirect_dma semaphore(%dma_wait3A_259 : memref<!tpu.dma_semaphore, #tpu.memory_space<semaphore_mem>>) src(%dma_wait3A_257 : memref<1000000x32xf32, #tpu.memory_space<hbm>>) dst(%dma_wait3A_251 : memref<128x32xf32, #tpu.memory_space<vmem>>)
        %ge3A = arith.constant 1 : i32
        %ge3A_260 = arith.cmpi sge, %scan3A_240, %ge3A : i32
        %gt3A = arith.constant 0 : i32
        %gt3A_261 = arith.cmpi sgt, %scan3A_189, %gt3A : i32
        %or3A = arith.ori %ge3A_260, %gt3A_261 : i1
        %convert_element_type3A = arith.extui %or3A : i1 to i32
        %cond3A = arith.constant 0 : i32
        %cond3A_262 = arith.cmpi ne, %convert_element_type3A, %cond3A : i32
        scf.if %cond3A_262 {
          %dma_wait3A_360 = arith.constant 0 : i32
          %dma_wait3A_361 = arith.constant 0 : i32
          %dma_wait3A_362 = arith.constant 0 : i32
          %dma_wait3A_363 = arith.constant 0 : i32
          %dma_wait3A_364 = arith.constant 0 : i32
          %dma_wait3A_365 = arith.constant 0 : i32
          %dma_wait3A_366 = arith.constant 0 : i32
          %dma_wait3A_367 = tpu.memref_slice %arg8[%dma_wait3A_360, %dma_wait3A_364, %dma_wait3A_365, %dma_wait3A_366] : memref<2x4x8x129xf32, #tpu.memory_space<vmem>> -> memref<1x4x8x128xf32, #tpu.memory_space<vmem>>
          %dma_wait3A_368 = tpu.memref_squeeze %dma_wait3A_367 : memref<1x4x8x128xf32, #tpu.memory_space<vmem>> -> memref<4x8x128xf32, #tpu.memory_space<vmem>>
          %dma_wait3A_369 = arith.constant 0 : i32
          %dma_wait3A_370 = arith.constant 0 : i32
          %dma_wait3A_371 = arith.constant 0 : i32
          %dma_wait3A_372 = tpu.memref_slice %arg4[%dma_wait3A_361, %dma_wait3A_369, %dma_wait3A_362, %dma_wait3A_370, %dma_wait3A_371] : memref<50x4x128x8x128xf32, #tpu.memory_space<hbm>> -> memref<1x4x1x8x128xf32, #tpu.memory_space<hbm>>
          %dma_wait3A_373 = tpu.memref_squeeze %dma_wait3A_372 : memref<1x4x1x8x128xf32, #tpu.memory_space<hbm>> -> memref<4x8x128xf32, #tpu.memory_space<hbm>>
          %dma_wait3A_374 = tpu.memref_slice %arg10[%dma_wait3A_363] : memref<2x!tpu.dma_semaphore, #tpu.memory_space<semaphore_mem>> -> memref<1x!tpu.dma_semaphore, #tpu.memory_space<semaphore_mem>>
          %dma_wait3A_375 = tpu.memref_squeeze %dma_wait3A_374 : memref<1x!tpu.dma_semaphore, #tpu.memory_space<semaphore_mem>> -> memref<!tpu.dma_semaphore, #tpu.memory_space<semaphore_mem>>
          %dma_wait3A_376 = arith.constant 0 : i32
          %dma_wait3A_377 = arith.constant 0 : i32
          %dma_wait3A_378 = arith.constant 0 : i32
          %dma_wait3A_379 = tpu.memref_slice %arg4[%dma_wait3A_361, %dma_wait3A_376, %dma_wait3A_362, %dma_wait3A_377, %dma_wait3A_378] : memref<50x4x128x8x128xf32, #tpu.memory_space<hbm>> -> memref<1x4x1x8x128xf32, #tpu.memory_space<hbm>>
          %dma_wait3A_380 = tpu.memref_squeeze %dma_wait3A_379 : memref<1x4x1x8x128xf32, #tpu.memory_space<hbm>> -> memref<4x8x128xf32, #tpu.memory_space<hbm>>
          %dma_wait3A_381 = arith.constant 0 : i32
          %dma_wait3A_382 = arith.constant 0 : i32
          %dma_wait3A_383 = arith.constant 0 : i32
          %dma_wait3A_384 = tpu.memref_slice %arg8[%dma_wait3A_360, %dma_wait3A_381, %dma_wait3A_382, %dma_wait3A_383] : memref<2x4x8x129xf32, #tpu.memory_space<vmem>> -> memref<1x4x8x128xf32, #tpu.memory_space<vmem>>
          %dma_wait3A_385 = tpu.memref_squeeze %dma_wait3A_384 : memref<1x4x8x128xf32, #tpu.memory_space<vmem>> -> memref<4x8x128xf32, #tpu.memory_space<vmem>>
          tpu.wait_dma2 semaphore(%dma_wait3A_375 : memref<!tpu.dma_semaphore, #tpu.memory_space<semaphore_mem>>) src(%dma_wait3A_385 : memref<4x8x128xf32, #tpu.memory_space<vmem>>) dst(%dma_wait3A_380 : memref<4x8x128xf32, #tpu.memory_space<hbm>>)
        } else {
        }
        %parallel_loop3A_263 = arith.constant 0 : i32
        %parallel_loop3A_264 = arith.constant 128 : i32
        %parallel_loop3A_265 = arith.constant 1 : i32
        %parallel_loop3A_266 = arith.constant 0 : i32
        %parallel_loop3A_267 = arith.constant 0 : i32
        scf.for %parallel_loop3A_360 = %parallel_loop3A_263 to %parallel_loop3A_264 step %parallel_loop3A_265  : i32 {
          %parallel_loop3A_361 = vector.broadcast %parallel_loop3A_360 : i32 to vector<16xi32>
          %parallel_loop3A_362 = arith.constant 0 : i32
          %parallel_loop3A_363 = arith.constant 0 : i32
          %parallel_loop3A_364 = tpu.memref_slice %arg7[%parallel_loop3A_266, %parallel_loop3A_362, %parallel_loop3A_363] : memref<2x128x32xf32, #tpu.memory_space<vmem>> -> memref<1x128x32xf32, #tpu.memory_space<vmem>>
          %parallel_loop3A_365 = tpu.memref_squeeze %parallel_loop3A_364 : memref<1x128x32xf32, #tpu.memory_space<vmem>> -> memref<128x32xf32, #tpu.memory_space<vmem>>
          %parallel_loop3A_366 = arith.index_cast %parallel_loop3A_360 : i32 to index
          %parallel_loop3A_367 = arith.constant 0 : index
          %parallel_loop3A_368 = tpu.vector_load %parallel_loop3A_365[%parallel_loop3A_366, %parallel_loop3A_367] {strides = array<i32>} : memref<128x32xf32, #tpu.memory_space<vmem>>, vector<16xf32>,
          %parallel_loop3A_369 = arith.constant 0 : i32
          %parallel_loop3A_370 = arith.constant 0 : i32
          %parallel_loop3A_371 = arith.constant 0 : i32
          %parallel_loop3A_372 = tpu.memref_slice %arg8[%parallel_loop3A_267, %parallel_loop3A_369, %parallel_loop3A_370, %parallel_loop3A_371] : memref<2x4x8x129xf32, #tpu.memory_space<vmem>> -> memref<1x4x8x129xf32, #tpu.memory_space<vmem>>
          %parallel_loop3A_373 = tpu.memref_squeeze %parallel_loop3A_372 : memref<1x4x8x129xf32, #tpu.memory_space<vmem>> -> memref<4x8x129xf32, #tpu.memory_space<vmem>>
          tpu.vector_store_idx %parallel_loop3A_373[%select_n3A, %select_n3A_107, %parallel_loop3A_361], %parallel_loop3A_368 : memref<4x8x129xf32, #tpu.memory_space<vmem>>[vector<16xi32>, vector<16xi32>, vector<16xi32>], vector<16xf32>,
          %parallel_loop3A_374 = arith.constant 0 : i32
          %parallel_loop3A_375 = arith.constant 0 : i32
          %parallel_loop3A_376 = tpu.memref_slice %arg7[%parallel_loop3A_266, %parallel_loop3A_374, %parallel_loop3A_375] : memref<2x128x32xf32, #tpu.memory_space<vmem>> -> memref<1x128x32xf32, #tpu.memory_space<vmem>>
          %parallel_loop3A_377 = tpu.memref_squeeze %parallel_loop3A_376 : memref<1x128x32xf32, #tpu.memory_space<vmem>> -> memref<128x32xf32, #tpu.memory_space<vmem>>
          %parallel_loop3A_378 = arith.index_cast %parallel_loop3A_360 : i32 to index
          %parallel_loop3A_379 = arith.constant 16 : index
          %parallel_loop3A_380 = tpu.vector_load %parallel_loop3A_377[%parallel_loop3A_378, %parallel_loop3A_379] {strides = array<i32>} : memref<128x32xf32, #tpu.memory_space<vmem>>, vector<16xf32>,
          %parallel_loop3A_381 = arith.constant 0 : i32
          %parallel_loop3A_382 = arith.constant 0 : i32
          %parallel_loop3A_383 = arith.constant 0 : i32
          %parallel_loop3A_384 = tpu.memref_slice %arg8[%parallel_loop3A_267, %parallel_loop3A_381, %parallel_loop3A_382, %parallel_loop3A_383] : memref<2x4x8x129xf32, #tpu.memory_space<vmem>> -> memref<1x4x8x129xf32, #tpu.memory_space<vmem>>
          %parallel_loop3A_385 = tpu.memref_squeeze %parallel_loop3A_384 : memref<1x4x8x129xf32, #tpu.memory_space<vmem>> -> memref<4x8x129xf32, #tpu.memory_space<vmem>>
          tpu.vector_store_idx %parallel_loop3A_385[%select_n3A_84, %select_n3A_132, %parallel_loop3A_361], %parallel_loop3A_380 : memref<4x8x129xf32, #tpu.memory_space<vmem>>[vector<16xi32>, vector<16xi32>, vector<16xi32>], vector<16xf32>,
        } {sc.loop_unroll_factor = 16 : i64, sc.parallel_access}
        %dma_start3A_268 = arith.constant 0 : i32
        %dma_start3A_269 = arith.constant 0 : i32
        %dma_start3A_270 = arith.constant 0 : i32
        %dma_start3A_271 = arith.constant 0 : i32
        %dma_start3A_272 = arith.constant 0 : i32
        %dma_start3A_273 = tpu.memref_slice %arg8[%dma_start3A_268, %dma_start3A_270, %dma_start3A_271, %dma_start3A_272] : memref<2x4x8x129xf32, #tpu.memory_space<vmem>> -> memref<1x4x8x128xf32, #tpu.memory_space<vmem>>
        %dma_start3A_274 = tpu.memref_squeeze %dma_start3A_273 : memref<1x4x8x128xf32, #tpu.memory_space<vmem>> -> memref<4x8x128xf32, #tpu.memory_space<vmem>>
        %dma_start3A_275 = arith.constant 0 : i32
        %dma_start3A_276 = arith.constant 0 : i32
        %dma_start3A_277 = arith.constant 0 : i32
        %dma_start3A_278 = tpu.memref_slice %arg4[%add3A_244, %dma_start3A_275, %add3A_192, %dma_start3A_276, %dma_start3A_277] : memref<50x4x128x8x128xf32, #tpu.memory_space<hbm>> -> memref<1x4x1x8x128xf32, #tpu.memory_space<hbm>>
        %dma_start3A_279 = tpu.memref_squeeze %dma_start3A_278 : memref<1x4x1x8x128xf32, #tpu.memory_space<hbm>> -> memref<4x8x128xf32, #tpu.memory_space<hbm>>
        %dma_start3A_280 = tpu.memref_slice %arg10[%dma_start3A_269] : memref<2x!tpu.dma_semaphore, #tpu.memory_space<semaphore_mem>> -> memref<1x!tpu.dma_semaphore, #tpu.memory_space<semaphore_mem>>
        %dma_start3A_281 = tpu.memref_squeeze %dma_start3A_280 : memref<1x!tpu.dma_semaphore, #tpu.memory_space<semaphore_mem>> -> memref<!tpu.dma_semaphore, #tpu.memory_space<semaphore_mem>>
        %dma_start3A_282 = arith.constant 0 : i32
        %dma_start3A_283 = arith.constant 0 : i32
        %dma_start3A_284 = arith.constant 0 : i32
        %dma_start3A_285 = tpu.memref_slice %arg4[%add3A_244, %dma_start3A_282, %add3A_192, %dma_start3A_283, %dma_start3A_284] : memref<50x4x128x8x128xf32, #tpu.memory_space<hbm>> -> memref<1x4x1x8x128xf32, #tpu.memory_space<hbm>>
        %dma_start3A_286 = tpu.memref_squeeze %dma_start3A_285 : memref<1x4x1x8x128xf32, #tpu.memory_space<hbm>> -> memref<4x8x128xf32, #tpu.memory_space<hbm>>
        %dma_start3A_287 = arith.constant 0 : i32
        %dma_start3A_288 = arith.constant 0 : i32
        %dma_start3A_289 = arith.constant 0 : i32
        %dma_start3A_290 = tpu.memref_slice %arg8[%dma_start3A_268, %dma_start3A_287, %dma_start3A_288, %dma_start3A_289] : memref<2x4x8x129xf32, #tpu.memory_space<vmem>> -> memref<1x4x8x128xf32, #tpu.memory_space<vmem>>
        %dma_start3A_291 = tpu.memref_squeeze %dma_start3A_290 : memref<1x4x8x128xf32, #tpu.memory_space<vmem>> -> memref<4x8x128xf32, #tpu.memory_space<vmem>>
        tpu.enqueue_dma source(%dma_start3A_291 : memref<4x8x128xf32, #tpu.memory_space<vmem>>) target(%dma_start3A_286 : memref<4x8x128xf32, #tpu.memory_space<hbm>>) target_semaphore(%dma_start3A_281 : memref<!tpu.dma_semaphore, #tpu.memory_space<semaphore_mem>>)
        %add3A_292 = arith.constant 2 : i32
        %add3A_293 = arith.addi %add3A_244, %add3A_292 : i32
        %lt3A_294 = arith.constant 50 : i32
        %lt3A_295 = arith.cmpi slt, %add3A_293, %lt3A_294 : i32
        %convert_element_type3A_296 = arith.extui %lt3A_295 : i1 to i32
        %cond3A_297 = arith.constant 0 : i32
        %cond3A_298 = arith.cmpi ne, %convert_element_type3A_296, %cond3A_297 : i32
        scf.if %cond3A_298 {
          %add3A_360 = arith.constant 2 : i32
          %add3A_361 = arith.addi %add3A_244, %add3A_360 : i32
          %broadcast_in_dim3A_362 = vector.broadcast %add3A_361 : i32 to vector<16xi32>
          %parallel_loop3A_363 = arith.constant 0 : i32
          %parallel_loop3A_364 = arith.constant 8 : i32
          %parallel_loop3A_365 = arith.constant 1 : i32
          %parallel_loop3A_366 = arith.constant 0 : i32
          scf.for %parallel_loop3A_382 = %parallel_loop3A_363 to %parallel_loop3A_364 step %parallel_loop3A_365  : i32 {
            %parallel_loop3A_383 = arith.constant 16 : i32
            %parallel_loop3A_384 = arith.muli %parallel_loop3A_382, %parallel_loop3A_383 : i32
            %parallel_loop3A_385 = vector.broadcast %parallel_loop3A_384 : i32 to vector<16xi32>
            %parallel_loop3A_386 = arith.addi %parallel_loop3A_385, %iota3A : vector<16xi32>
            %parallel_loop3A_387 = tpu.vector_load_idx %arg5[%parallel_loop3A_386, %broadcast_in_dim3A_362] : memref<128x50xi32, #tpu.memory_space<vmem>>[vector<16xi32>, vector<16xi32>], vector<16xi32>,
            %parallel_loop3A_388 = arith.constant 16 : i32
            %parallel_loop3A_389 = arith.muli %parallel_loop3A_382, %parallel_loop3A_388 : i32
            %parallel_loop3A_390 = arith.constant 0 : i32
            %parallel_loop3A_391 = tpu.memref_slice %arg6[%parallel_loop3A_366, %parallel_loop3A_390] : memref<2x128xi32, #tpu.memory_space<vmem>> -> memref<1x128xi32, #tpu.memory_space<vmem>>
            %parallel_loop3A_392 = tpu.memref_squeeze %parallel_loop3A_391 : memref<1x128xi32, #tpu.memory_space<vmem>> -> memref<128xi32, #tpu.memory_space<vmem>>
            %parallel_loop3A_393 = arith.index_cast %parallel_loop3A_389 : i32 to index
            %parallel_loop3A_394 = tpu.vector_load %parallel_loop3A_392[%parallel_loop3A_393] {strides = array<i32>} : memref<128xi32, #tpu.memory_space<vmem>>, vector<16xi32>,
            tpu.vector_store %parallel_loop3A_392[%parallel_loop3A_393], %parallel_loop3A_387 {strides = array<i32>} : memref<128xi32, #tpu.memory_space<vmem>>, vector<16xi32>,
          } {sc.loop_unroll_factor = 8 : i64, sc.parallel_access}
          %dma_start3A_367 = arith.constant 0 : i32
          %dma_start3A_368 = arith.constant 0 : i32
          %dma_start3A_369 = arith.constant 0 : i32
          %dma_start3A_370 = arith.constant 0 : i32
          %dma_start3A_371 = arith.constant 0 : i32
          %dma_start3A_372 = tpu.memref_slice %arg7[%dma_start3A_368, %dma_start3A_370, %dma_start3A_371] : memref<2x128x32xf32, #tpu.memory_space<vmem>> -> memref<1x128x32xf32, #tpu.memory_space<vmem>>
          %dma_start3A_373 = tpu.memref_squeeze %dma_start3A_372 : memref<1x128x32xf32, #tpu.memory_space<vmem>> -> memref<128x32xf32, #tpu.memory_space<vmem>>
          %dma_start3A_374 = arith.constant 0 : i32
          %dma_start3A_375 = tpu.memref_slice %arg6[%dma_start3A_367, %dma_start3A_374] : memref<2x128xi32, #tpu.memory_space<vmem>> -> memref<1x128xi32, #tpu.memory_space<vmem>>
          %dma_start3A_376 = tpu.memref_squeeze %dma_start3A_375 : memref<1x128xi32, #tpu.memory_space<vmem>> -> memref<128xi32, #tpu.memory_space<vmem>>
          %dma_start3A_377 = arith.constant 0 : i32
          %dma_start3A_378 = arith.constant 0 : i32
          %dma_start3A_379 = tpu.memref_slice %arg3[%dma_start3A_377, %dma_start3A_378] : memref<1000000x32xf32, #tpu.memory_space<hbm>> -> memref<1000000x32xf32, #tpu.memory_space<hbm>>
          %dma_start3A_380 = tpu.memref_slice %arg9[%dma_start3A_369] : memref<2x!tpu.dma_semaphore, #tpu.memory_space<semaphore_mem>> -> memref<1x!tpu.dma_semaphore, #tpu.memory_space<semaphore_mem>>
          %dma_start3A_381 = tpu.memref_squeeze %dma_start3A_380 : memref<1x!tpu.dma_semaphore, #tpu.memory_space<semaphore_mem>> -> memref<!tpu.dma_semaphore, #tpu.memory_space<semaphore_mem>>
          tpu.enqueue_indirect_dma source(%dma_start3A_379 : memref<1000000x32xf32, #tpu.memory_space<hbm>>) target(%dma_start3A_373 : memref<128x32xf32, #tpu.memory_space<vmem>>) offsets(%dma_start3A_376 : memref<128xi32, #tpu.memory_space<vmem>>) semaphore(%dma_start3A_381 : memref<!tpu.dma_semaphore, #tpu.memory_space<semaphore_mem>>)
        } else {
        }
        %add3A_299 = arith.constant 1 : i32
        %add3A_300 = arith.addi %mul3A_242, %add3A_299 : i32
        %dma_wait3A_301 = arith.constant 1 : i32
        %dma_wait3A_302 = arith.constant 1 : i32
        %dma_wait3A_303 = arith.constant 1 : i32
        %dma_wait3A_304 = arith.constant 0 : i32
        %dma_wait3A_305 = arith.constant 0 : i32
        %dma_wait3A_306 = tpu.memref_slice %arg7[%dma_wait3A_302, %dma_wait3A_304, %dma_wait3A_305] : memref<2x128x32xf32, #tpu.memory_space<vmem>> -> memref<1x128x32xf32, #tpu.memory_space<vmem>>
        %dma_wait3A_307 = tpu.memref_squeeze %dma_wait3A_306 : memref<1x128x32xf32, #tpu.memory_space<vmem>> -> memref<128x32xf32, #tpu.memory_space<vmem>>
        %dma_wait3A_308 = arith.constant 0 : i32
        %dma_wait3A_309 = tpu.memref_slice %arg6[%dma_wait3A_301, %dma_wait3A_308] : memref<2x128xi32, #tpu.memory_space<vmem>> -> memref<1x128xi32, #tpu.memory_space<vmem>>
        %dma_wait3A_310 = tpu.memref_squeeze %dma_wait3A_309 : memref<1x128xi32, #tpu.memory_space<vmem>> -> memref<128xi32, #tpu.memory_space<vmem>>
        %dma_wait3A_311 = arith.constant 0 : i32
        %dma_wait3A_312 = arith.constant 0 : i32
        %dma_wait3A_313 = tpu.memref_slice %arg3[%dma_wait3A_311, %dma_wait3A_312] : memref<1000000x32xf32, #tpu.memory_space<hbm>> -> memref<1000000x32xf32, #tpu.memory_space<hbm>>
        %dma_wait3A_314 = tpu.memref_slice %arg9[%dma_wait3A_303] : memref<2x!tpu.dma_semaphore, #tpu.memory_space<semaphore_mem>> -> memref<1x!tpu.dma_semaphore, #tpu.memory_space<semaphore_mem>>
        %dma_wait3A_315 = tpu.memref_squeeze %dma_wait3A_314 : memref<1x!tpu.dma_semaphore, #tpu.memory_space<semaphore_mem>> -> memref<!tpu.dma_semaphore, #tpu.memory_space<semaphore_mem>>
        tpu.wait_indirect_dma semaphore(%dma_wait3A_315 : memref<!tpu.dma_semaphore, #tpu.memory_space<semaphore_mem>>) src(%dma_wait3A_313 : memref<1000000x32xf32, #tpu.memory_space<hbm>>) dst(%dma_wait3A_307 : memref<128x32xf32, #tpu.memory_space<vmem>>)
        %ge3A_316 = arith.constant 1 : i32
        %ge3A_317 = arith.cmpi sge, %scan3A_240, %ge3A_316 : i32
        %gt3A_318 = arith.constant 0 : i32
        %gt3A_319 = arith.cmpi sgt, %scan3A_189, %gt3A_318 : i32
        %or3A_320 = arith.ori %ge3A_317, %gt3A_319 : i1
        %convert_element_type3A_321 = arith.extui %or3A_320 : i1 to i32
        %cond3A_322 = arith.constant 0 : i32
        %cond3A_323 = arith.cmpi ne, %convert_element_type3A_321, %cond3A_322 : i32
        scf.if %cond3A_323 {
          %dma_wait3A_360 = arith.constant 0 : i32
          %dma_wait3A_361 = arith.constant 0 : i32
          %dma_wait3A_362 = arith.constant 0 : i32
          %dma_wait3A_363 = arith.constant 1 : i32
          %dma_wait3A_364 = arith.constant 0 : i32
          %dma_wait3A_365 = arith.constant 0 : i32
          %dma_wait3A_366 = arith.constant 0 : i32
          %dma_wait3A_367 = tpu.memref_slice %arg8[%dma_wait3A_360, %dma_wait3A_364, %dma_wait3A_365, %dma_wait3A_366] : memref<2x4x8x129xf32, #tpu.memory_space<vmem>> -> memref<1x4x8x128xf32, #tpu.memory_space<vmem>>
          %dma_wait3A_368 = tpu.memref_squeeze %dma_wait3A_367 : memref<1x4x8x128xf32, #tpu.memory_space<vmem>> -> memref<4x8x128xf32, #tpu.memory_space<vmem>>
          %dma_wait3A_369 = arith.constant 0 : i32
          %dma_wait3A_370 = arith.constant 0 : i32
          %dma_wait3A_371 = arith.constant 0 : i32
          %dma_wait3A_372 = tpu.memref_slice %arg4[%dma_wait3A_361, %dma_wait3A_369, %dma_wait3A_362, %dma_wait3A_370, %dma_wait3A_371] : memref<50x4x128x8x128xf32, #tpu.memory_space<hbm>> -> memref<1x4x1x8x128xf32, #tpu.memory_space<hbm>>
          %dma_wait3A_373 = tpu.memref_squeeze %dma_wait3A_372 : memref<1x4x1x8x128xf32, #tpu.memory_space<hbm>> -> memref<4x8x128xf32, #tpu.memory_space<hbm>>
          %dma_wait3A_374 = tpu.memref_slice %arg10[%dma_wait3A_363] : memref<2x!tpu.dma_semaphore, #tpu.memory_space<semaphore_mem>> -> memref<1x!tpu.dma_semaphore, #tpu.memory_space<semaphore_mem>>
          %dma_wait3A_375 = tpu.memref_squeeze %dma_wait3A_374 : memref<1x!tpu.dma_semaphore, #tpu.memory_space<semaphore_mem>> -> memref<!tpu.dma_semaphore, #tpu.memory_space<semaphore_mem>>
          %dma_wait3A_376 = arith.constant 0 : i32
          %dma_wait3A_377 = arith.constant 0 : i32
          %dma_wait3A_378 = arith.constant 0 : i32
          %dma_wait3A_379 = tpu.memref_slice %arg4[%dma_wait3A_361, %dma_wait3A_376, %dma_wait3A_362, %dma_wait3A_377, %dma_wait3A_378] : memref<50x4x128x8x128xf32, #tpu.memory_space<hbm>> -> memref<1x4x1x8x128xf32, #tpu.memory_space<hbm>>
          %dma_wait3A_380 = tpu.memref_squeeze %dma_wait3A_379 : memref<1x4x1x8x128xf32, #tpu.memory_space<hbm>> -> memref<4x8x128xf32, #tpu.memory_space<hbm>>
          %dma_wait3A_381 = arith.constant 0 : i32
          %dma_wait3A_382 = arith.constant 0 : i32
          %dma_wait3A_383 = arith.constant 0 : i32
          %dma_wait3A_384 = tpu.memref_slice %arg8[%dma_wait3A_360, %dma_wait3A_381, %dma_wait3A_382, %dma_wait3A_383] : memref<2x4x8x129xf32, #tpu.memory_space<vmem>> -> memref<1x4x8x128xf32, #tpu.memory_space<vmem>>
          %dma_wait3A_385 = tpu.memref_squeeze %dma_wait3A_384 : memref<1x4x8x128xf32, #tpu.memory_space<vmem>> -> memref<4x8x128xf32, #tpu.memory_space<vmem>>
          tpu.wait_dma2 semaphore(%dma_wait3A_375 : memref<!tpu.dma_semaphore, #tpu.memory_space<semaphore_mem>>) src(%dma_wait3A_385 : memref<4x8x128xf32, #tpu.memory_space<vmem>>) dst(%dma_wait3A_380 : memref<4x8x128xf32, #tpu.memory_space<hbm>>)
        } else {
        }
        %parallel_loop3A_324 = arith.constant 0 : i32
        %parallel_loop3A_325 = arith.constant 128 : i32
        %parallel_loop3A_326 = arith.constant 1 : i32
        %parallel_loop3A_327 = arith.constant 1 : i32
        %parallel_loop3A_328 = arith.constant 1 : i32
        scf.for %parallel_loop3A_360 = %parallel_loop3A_324 to %parallel_loop3A_325 step %parallel_loop3A_326  : i32 {
          %parallel_loop3A_361 = vector.broadcast %parallel_loop3A_360 : i32 to vector<16xi32>
          %parallel_loop3A_362 = arith.constant 0 : i32
          %parallel_loop3A_363 = arith.constant 0 : i32
          %parallel_loop3A_364 = tpu.memref_slice %arg7[%parallel_loop3A_327, %parallel_loop3A_362, %parallel_loop3A_363] : memref<2x128x32xf32, #tpu.memory_space<vmem>> -> memref<1x128x32xf32, #tpu.memory_space<vmem>>
          %parallel_loop3A_365 = tpu.memref_squeeze %parallel_loop3A_364 : memref<1x128x32xf32, #tpu.memory_space<vmem>> -> memref<128x32xf32, #tpu.memory_space<vmem>>
          %parallel_loop3A_366 = arith.index_cast %parallel_loop3A_360 : i32 to index
          %parallel_loop3A_367 = arith.constant 0 : index
          %parallel_loop3A_368 = tpu.vector_load %parallel_loop3A_365[%parallel_loop3A_366, %parallel_loop3A_367] {strides = array<i32>} : memref<128x32xf32, #tpu.memory_space<vmem>>, vector<16xf32>,
          %parallel_loop3A_369 = arith.constant 0 : i32
          %parallel_loop3A_370 = arith.constant 0 : i32
          %parallel_loop3A_371 = arith.constant 0 : i32
          %parallel_loop3A_372 = tpu.memref_slice %arg8[%parallel_loop3A_328, %parallel_loop3A_369, %parallel_loop3A_370, %parallel_loop3A_371] : memref<2x4x8x129xf32, #tpu.memory_space<vmem>> -> memref<1x4x8x129xf32, #tpu.memory_space<vmem>>
          %parallel_loop3A_373 = tpu.memref_squeeze %parallel_loop3A_372 : memref<1x4x8x129xf32, #tpu.memory_space<vmem>> -> memref<4x8x129xf32, #tpu.memory_space<vmem>>
          tpu.vector_store_idx %parallel_loop3A_373[%select_n3A, %select_n3A_107, %parallel_loop3A_361], %parallel_loop3A_368 : memref<4x8x129xf32, #tpu.memory_space<vmem>>[vector<16xi32>, vector<16xi32>, vector<16xi32>], vector<16xf32>,
          %parallel_loop3A_374 = arith.constant 0 : i32
          %parallel_loop3A_375 = arith.constant 0 : i32
          %parallel_loop3A_376 = tpu.memref_slice %arg7[%parallel_loop3A_327, %parallel_loop3A_374, %parallel_loop3A_375] : memref<2x128x32xf32, #tpu.memory_space<vmem>> -> memref<1x128x32xf32, #tpu.memory_space<vmem>>
          %parallel_loop3A_377 = tpu.memref_squeeze %parallel_loop3A_376 : memref<1x128x32xf32, #tpu.memory_space<vmem>> -> memref<128x32xf32, #tpu.memory_space<vmem>>
          %parallel_loop3A_378 = arith.index_cast %parallel_loop3A_360 : i32 to index
          %parallel_loop3A_379 = arith.constant 16 : index
          %parallel_loop3A_380 = tpu.vector_load %parallel_loop3A_377[%parallel_loop3A_378, %parallel_loop3A_379] {strides = array<i32>} : memref<128x32xf32, #tpu.memory_space<vmem>>, vector<16xf32>,
          %parallel_loop3A_381 = arith.constant 0 : i32
          %parallel_loop3A_382 = arith.constant 0 : i32
          %parallel_loop3A_383 = arith.constant 0 : i32
          %parallel_loop3A_384 = tpu.memref_slice %arg8[%parallel_loop3A_328, %parallel_loop3A_381, %parallel_loop3A_382, %parallel_loop3A_383] : memref<2x4x8x129xf32, #tpu.memory_space<vmem>> -> memref<1x4x8x129xf32, #tpu.memory_space<vmem>>
          %parallel_loop3A_385 = tpu.memref_squeeze %parallel_loop3A_384 : memref<1x4x8x129xf32, #tpu.memory_space<vmem>> -> memref<4x8x129xf32, #tpu.memory_space<vmem>>
          tpu.vector_store_idx %parallel_loop3A_385[%select_n3A_84, %select_n3A_132, %parallel_loop3A_361], %parallel_loop3A_380 : memref<4x8x129xf32, #tpu.memory_space<vmem>>[vector<16xi32>, vector<16xi32>, vector<16xi32>], vector<16xf32>,
        } {sc.loop_unroll_factor = 16 : i64, sc.parallel_access}
        %dma_start3A_329 = arith.constant 1 : i32
        %dma_start3A_330 = arith.constant 1 : i32
        %dma_start3A_331 = arith.constant 0 : i32
        %dma_start3A_332 = arith.constant 0 : i32
        %dma_start3A_333 = arith.constant 0 : i32
        %dma_start3A_334 = tpu.memref_slice %arg8[%dma_start3A_329, %dma_start3A_331, %dma_start3A_332, %dma_start3A_333] : memref<2x4x8x129xf32, #tpu.memory_space<vmem>> -> memref<1x4x8x128xf32, #tpu.memory_space<vmem>>
        %dma_start3A_335 = tpu.memref_squeeze %dma_start3A_334 : memref<1x4x8x128xf32, #tpu.memory_space<vmem>> -> memref<4x8x128xf32, #tpu.memory_space<vmem>>
        %dma_start3A_336 = arith.constant 0 : i32
        %dma_start3A_337 = arith.constant 0 : i32
        %dma_start3A_338 = arith.constant 0 : i32
        %dma_start3A_339 = tpu.memref_slice %arg4[%add3A_300, %dma_start3A_336, %add3A_192, %dma_start3A_337, %dma_start3A_338] : memref<50x4x128x8x128xf32, #tpu.memory_space<hbm>> -> memref<1x4x1x8x128xf32, #tpu.memory_space<hbm>>
        %dma_start3A_340 = tpu.memref_squeeze %dma_start3A_339 : memref<1x4x1x8x128xf32, #tpu.memory_space<hbm>> -> memref<4x8x128xf32, #tpu.memory_space<hbm>>
        %dma_start3A_341 = tpu.memref_slice %arg10[%dma_start3A_330] : memref<2x!tpu.dma_semaphore, #tpu.memory_space<semaphore_mem>> -> memref<1x!tpu.dma_semaphore, #tpu.memory_space<semaphore_mem>>
        %dma_start3A_342 = tpu.memref_squeeze %dma_start3A_341 : memref<1x!tpu.dma_semaphore, #tpu.memory_space<semaphore_mem>> -> memref<!tpu.dma_semaphore, #tpu.memory_space<semaphore_mem>>
        %dma_start3A_343 = arith.constant 0 : i32
        %dma_start3A_344 = arith.constant 0 : i32
        %dma_start3A_345 = arith.constant 0 : i32
        %dma_start3A_346 = tpu.memref_slice %arg4[%add3A_300, %dma_start3A_343, %add3A_192, %dma_start3A_344, %dma_start3A_345] : memref<50x4x128x8x128xf32, #tpu.memory_space<hbm>> -> memref<1x4x1x8x128xf32, #tpu.memory_space<hbm>>
        %dma_start3A_347 = tpu.memref_squeeze %dma_start3A_346 : memref<1x4x1x8x128xf32, #tpu.memory_space<hbm>> -> memref<4x8x128xf32, #tpu.memory_space<hbm>>
        %dma_start3A_348 = arith.constant 0 : i32
        %dma_start3A_349 = arith.constant 0 : i32
        %dma_start3A_350 = arith.constant 0 : i32
        %dma_start3A_351 = tpu.memref_slice %arg8[%dma_start3A_329, %dma_start3A_348, %dma_start3A_349, %dma_start3A_350] : memref<2x4x8x129xf32, #tpu.memory_space<vmem>> -> memref<1x4x8x128xf32, #tpu.memory_space<vmem>>
        %dma_start3A_352 = tpu.memref_squeeze %dma_start3A_351 : memref<1x4x8x128xf32, #tpu.memory_space<vmem>> -> memref<4x8x128xf32, #tpu.memory_space<vmem>>
        tpu.enqueue_dma source(%dma_start3A_352 : memref<4x8x128xf32, #tpu.memory_space<vmem>>) target(%dma_start3A_347 : memref<4x8x128xf32, #tpu.memory_space<hbm>>) target_semaphore(%dma_start3A_342 : memref<!tpu.dma_semaphore, #tpu.memory_space<semaphore_mem>>)
        %add3A_353 = arith.constant 2 : i32
        %add3A_354 = arith.addi %add3A_300, %add3A_353 : i32
        %lt3A_355 = arith.constant 50 : i32
        %lt3A_356 = arith.cmpi slt, %add3A_354, %lt3A_355 : i32
        %convert_element_type3A_357 = arith.extui %lt3A_356 : i1 to i32
        %cond3A_358 = arith.constant 0 : i32
        %cond3A_359 = arith.cmpi ne, %convert_element_type3A_357, %cond3A_358 : i32
        scf.if %cond3A_359 {
          %add3A_360 = arith.constant 2 : i32
          %add3A_361 = arith.addi %add3A_300, %add3A_360 : i32
          %broadcast_in_dim3A_362 = vector.broadcast %add3A_361 : i32 to vector<16xi32>
          %parallel_loop3A_363 = arith.constant 0 : i32
          %parallel_loop3A_364 = arith.constant 8 : i32
          %parallel_loop3A_365 = arith.constant 1 : i32
          %parallel_loop3A_366 = arith.constant 1 : i32
          scf.for %parallel_loop3A_382 = %parallel_loop3A_363 to %parallel_loop3A_364 step %parallel_loop3A_365  : i32 {
            %parallel_loop3A_383 = arith.constant 16 : i32
            %parallel_loop3A_384 = arith.muli %parallel_loop3A_382, %parallel_loop3A_383 : i32
            %parallel_loop3A_385 = vector.broadcast %parallel_loop3A_384 : i32 to vector<16xi32>
            %parallel_loop3A_386 = arith.addi %parallel_loop3A_385, %iota3A : vector<16xi32>
            %parallel_loop3A_387 = tpu.vector_load_idx %arg5[%parallel_loop3A_386, %broadcast_in_dim3A_362] : memref<128x50xi32, #tpu.memory_space<vmem>>[vector<16xi32>, vector<16xi32>], vector<16xi32>,
            %parallel_loop3A_388 = arith.constant 16 : i32
            %parallel_loop3A_389 = arith.muli %parallel_loop3A_382, %parallel_loop3A_388 : i32
            %parallel_loop3A_390 = arith.constant 0 : i32
            %parallel_loop3A_391 = tpu.memref_slice %arg6[%parallel_loop3A_366, %parallel_loop3A_390] : memref<2x128xi32, #tpu.memory_space<vmem>> -> memref<1x128xi32, #tpu.memory_space<vmem>>
            %parallel_loop3A_392 = tpu.memref_squeeze %parallel_loop3A_391 : memref<1x128xi32, #tpu.memory_space<vmem>> -> memref<128xi32, #tpu.memory_space<vmem>>
            %parallel_loop3A_393 = arith.index_cast %parallel_loop3A_389 : i32 to index
            %parallel_loop3A_394 = tpu.vector_load %parallel_loop3A_392[%parallel_loop3A_393] {strides = array<i32>} : memref<128xi32, #tpu.memory_space<vmem>>, vector<16xi32>,
            tpu.vector_store %parallel_loop3A_392[%parallel_loop3A_393], %parallel_loop3A_387 {strides = array<i32>} : memref<128xi32, #tpu.memory_space<vmem>>, vector<16xi32>,
          } {sc.loop_unroll_factor = 8 : i64, sc.parallel_access}
          %dma_start3A_367 = arith.constant 1 : i32
          %dma_start3A_368 = arith.constant 1 : i32
          %dma_start3A_369 = arith.constant 1 : i32
          %dma_start3A_370 = arith.constant 0 : i32
          %dma_start3A_371 = arith.constant 0 : i32
          %dma_start3A_372 = tpu.memref_slice %arg7[%dma_start3A_368, %dma_start3A_370, %dma_start3A_371] : memref<2x128x32xf32, #tpu.memory_space<vmem>> -> memref<1x128x32xf32, #tpu.memory_space<vmem>>
          %dma_start3A_373 = tpu.memref_squeeze %dma_start3A_372 : memref<1x128x32xf32, #tpu.memory_space<vmem>> -> memref<128x32xf32, #tpu.memory_space<vmem>>
          %dma_start3A_374 = arith.constant 0 : i32
          %dma_start3A_375 = tpu.memref_slice %arg6[%dma_start3A_367, %dma_start3A_374] : memref<2x128xi32, #tpu.memory_space<vmem>> -> memref<1x128xi32, #tpu.memory_space<vmem>>
          %dma_start3A_376 = tpu.memref_squeeze %dma_start3A_375 : memref<1x128xi32, #tpu.memory_space<vmem>> -> memref<128xi32, #tpu.memory_space<vmem>>
          %dma_start3A_377 = arith.constant 0 : i32
          %dma_start3A_378 = arith.constant 0 : i32
          %dma_start3A_379 = tpu.memref_slice %arg3[%dma_start3A_377, %dma_start3A_378] : memref<1000000x32xf32, #tpu.memory_space<hbm>> -> memref<1000000x32xf32, #tpu.memory_space<hbm>>
          %dma_start3A_380 = tpu.memref_slice %arg9[%dma_start3A_369] : memref<2x!tpu.dma_semaphore, #tpu.memory_space<semaphore_mem>> -> memref<1x!tpu.dma_semaphore, #tpu.memory_space<semaphore_mem>>
          %dma_start3A_381 = tpu.memref_squeeze %dma_start3A_380 : memref<1x!tpu.dma_semaphore, #tpu.memory_space<semaphore_mem>> -> memref<!tpu.dma_semaphore, #tpu.memory_space<semaphore_mem>>
          tpu.enqueue_indirect_dma source(%dma_start3A_379 : memref<1000000x32xf32, #tpu.memory_space<hbm>>) target(%dma_start3A_373 : memref<128x32xf32, #tpu.memory_space<vmem>>) offsets(%dma_start3A_376 : memref<128xi32, #tpu.memory_space<vmem>>) semaphore(%dma_start3A_381 : memref<!tpu.dma_semaphore, #tpu.memory_space<semaphore_mem>>)
        } else {
        }
      }
      %scan3A_239 = arith.constant 25 : i32
    }
    %scan3A_137 = arith.constant 4 : i32
    %dma_wait3A = arith.constant 0 : i32
    %dma_wait3A_138 = arith.constant 0 : i32
    %dma_wait3A_139 = arith.constant 0 : i32
    %dma_wait3A_140 = arith.constant 0 : i32
    %dma_wait3A_141 = arith.constant 0 : i32
    %dma_wait3A_142 = arith.constant 0 : i32
    %dma_wait3A_143 = arith.constant 0 : i32
    %dma_wait3A_144 = tpu.memref_slice %arg8[%dma_wait3A, %dma_wait3A_141, %dma_wait3A_142, %dma_wait3A_143] : memref<2x4x8x129xf32, #tpu.memory_space<vmem>> -> memref<1x4x8x128xf32, #tpu.memory_space<vmem>>
    %dma_wait3A_145 = tpu.memref_squeeze %dma_wait3A_144 : memref<1x4x8x128xf32, #tpu.memory_space<vmem>> -> memref<4x8x128xf32, #tpu.memory_space<vmem>>
    %dma_wait3A_146 = arith.constant 0 : i32
    %dma_wait3A_147 = arith.constant 0 : i32
    %dma_wait3A_148 = arith.constant 0 : i32
    %dma_wait3A_149 = tpu.memref_slice %arg4[%dma_wait3A_138, %dma_wait3A_146, %dma_wait3A_139, %dma_wait3A_147, %dma_wait3A_148] : memref<50x4x128x8x128xf32, #tpu.memory_space<hbm>> -> memref<1x4x1x8x128xf32, #tpu.memory_space<hbm>>
    %dma_wait3A_150 = tpu.memref_squeeze %dma_wait3A_149 : memref<1x4x1x8x128xf32, #tpu.memory_space<hbm>> -> memref<4x8x128xf32, #tpu.memory_space<hbm>>
    %dma_wait3A_151 = tpu.memref_slice %arg10[%dma_wait3A_140] : memref<2x!tpu.dma_semaphore, #tpu.memory_space<semaphore_mem>> -> memref<1x!tpu.dma_semaphore, #tpu.memory_space<semaphore_mem>>
    %dma_wait3A_152 = tpu.memref_squeeze %dma_wait3A_151 : memref<1x!tpu.dma_semaphore, #tpu.memory_space<semaphore_mem>> -> memref<!tpu.dma_semaphore, #tpu.memory_space<semaphore_mem>>
    %dma_wait3A_153 = arith.constant 0 : i32
    %dma_wait3A_154 = arith.constant 0 : i32
    %dma_wait3A_155 = arith.constant 0 : i32
    %dma_wait3A_156 = tpu.memref_slice %arg4[%dma_wait3A_138, %dma_wait3A_153, %dma_wait3A_139, %dma_wait3A_154, %dma_wait3A_155] : memref<50x4x128x8x128xf32, #tpu.memory_space<hbm>> -> memref<1x4x1x8x128xf32, #tpu.memory_space<hbm>>
    %dma_wait3A_157 = tpu.memref_squeeze %dma_wait3A_156 : memref<1x4x1x8x128xf32, #tpu.memory_space<hbm>> -> memref<4x8x128xf32, #tpu.memory_space<hbm>>
    %dma_wait3A_158 = arith.constant 0 : i32
    %dma_wait3A_159 = arith.constant 0 : i32
    %dma_wait3A_160 = arith.constant 0 : i32
    %dma_wait3A_161 = tpu.memref_slice %arg8[%dma_wait3A, %dma_wait3A_158, %dma_wait3A_159, %dma_wait3A_160] : memref<2x4x8x129xf32, #tpu.memory_space<vmem>> -> memref<1x4x8x128xf32, #tpu.memory_space<vmem>>
    %dma_wait3A_162 = tpu.memref_squeeze %dma_wait3A_161 : memref<1x4x8x128xf32, #tpu.memory_space<vmem>> -> memref<4x8x128xf32, #tpu.memory_space<vmem>>
    tpu.wait_dma2 semaphore(%dma_wait3A_152 : memref<!tpu.dma_semaphore, #tpu.memory_space<semaphore_mem>>) src(%dma_wait3A_162 : memref<4x8x128xf32, #tpu.memory_space<vmem>>) dst(%dma_wait3A_157 : memref<4x8x128xf32, #tpu.memory_space<hbm>>)
    %dma_wait3A_163 = arith.constant 0 : i32
    %dma_wait3A_164 = arith.constant 0 : i32
    %dma_wait3A_165 = arith.constant 0 : i32
    %dma_wait3A_166 = arith.constant 1 : i32
    %dma_wait3A_167 = arith.constant 0 : i32
    %dma_wait3A_168 = arith.constant 0 : i32
    %dma_wait3A_169 = arith.constant 0 : i32
    %dma_wait3A_170 = tpu.memref_slice %arg8[%dma_wait3A_163, %dma_wait3A_167, %dma_wait3A_168, %dma_wait3A_169] : memref<2x4x8x129xf32, #tpu.memory_space<vmem>> -> memref<1x4x8x128xf32, #tpu.memory_space<vmem>>
    %dma_wait3A_171 = tpu.memref_squeeze %dma_wait3A_170 : memref<1x4x8x128xf32, #tpu.memory_space<vmem>> -> memref<4x8x128xf32, #tpu.memory_space<vmem>>
    %dma_wait3A_172 = arith.constant 0 : i32
    %dma_wait3A_173 = arith.constant 0 : i32
    %dma_wait3A_174 = arith.constant 0 : i32
    %dma_wait3A_175 = tpu.memref_slice %arg4[%dma_wait3A_164, %dma_wait3A_172, %dma_wait3A_165, %dma_wait3A_173, %dma_wait3A_174] : memref<50x4x128x8x128xf32, #tpu.memory_space<hbm>> -> memref<1x4x1x8x128xf32, #tpu.memory_space<hbm>>
    %dma_wait3A_176 = tpu.memref_squeeze %dma_wait3A_175 : memref<1x4x1x8x128xf32, #tpu.memory_space<hbm>> -> memref<4x8x128xf32, #tpu.memory_space<hbm>>
    %dma_wait3A_177 = tpu.memref_slice %arg10[%dma_wait3A_166] : memref<2x!tpu.dma_semaphore, #tpu.memory_space<semaphore_mem>> -> memref<1x!tpu.dma_semaphore, #tpu.memory_space<semaphore_mem>>
    %dma_wait3A_178 = tpu.memref_squeeze %dma_wait3A_177 : memref<1x!tpu.dma_semaphore, #tpu.memory_space<semaphore_mem>> -> memref<!tpu.dma_semaphore, #tpu.memory_space<semaphore_mem>>
    %dma_wait3A_179 = arith.constant 0 : i32
    %dma_wait3A_180 = arith.constant 0 : i32
    %dma_wait3A_181 = arith.constant 0 : i32
    %dma_wait3A_182 = tpu.memref_slice %arg4[%dma_wait3A_164, %dma_wait3A_179, %dma_wait3A_165, %dma_wait3A_180, %dma_wait3A_181] : memref<50x4x128x8x128xf32, #tpu.memory_space<hbm>> -> memref<1x4x1x8x128xf32, #tpu.memory_space<hbm>>
    %dma_wait3A_183 = tpu.memref_squeeze %dma_wait3A_182 : memref<1x4x1x8x128xf32, #tpu.memory_space<hbm>> -> memref<4x8x128xf32, #tpu.memory_space<hbm>>
    %dma_wait3A_184 = arith.constant 0 : i32
    %dma_wait3A_185 = arith.constant 0 : i32
    %dma_wait3A_186 = arith.constant 0 : i32
    %dma_wait3A_187 = tpu.memref_slice %arg8[%dma_wait3A_163, %dma_wait3A_184, %dma_wait3A_185, %dma_wait3A_186] : memref<2x4x8x129xf32, #tpu.memory_space<vmem>> -> memref<1x4x8x128xf32, #tpu.memory_space<vmem>>
    %dma_wait3A_188 = tpu.memref_squeeze %dma_wait3A_187 : memref<1x4x8x128xf32, #tpu.memory_space<vmem>> -> memref<4x8x128xf32, #tpu.memory_space<vmem>>
    tpu.wait_dma2 semaphore(%dma_wait3A_178 : memref<!tpu.dma_semaphore, #tpu.memory_space<semaphore_mem>>) src(%dma_wait3A_188 : memref<4x8x128xf32, #tpu.memory_space<vmem>>) dst(%dma_wait3A_183 : memref<4x8x128xf32, #tpu.memory_space<hbm>>)
    return
  }
}

</mosaic_0001>

<sc_bundles>
// kernel: kernel.3.cloned.1.call-start
scs
__scs_entry_jumppad:
0x0: {  	(pc) =	sbr.rel $0x88, $3  }
0x1: {  	(tag) =	ssettag $0x0;
	lr =	simm.s32 $0x1  }
0x2: {  	[smem:$0x3F9F] =	sst lr;
	_ =	strace $0xD0000000  }
0x3: {  	_ = 	snop  }
0x4: {  	_ = 	snop  }
0x5: {  	_ = 	snop  }
0x6: {  	_ = 	snop  }
0x7: {  	_ = 	snop  }
__scs_overlays_trampoline_lowered:
0x8: {  	[smem:$0x3FAE] =	sst s0  }
0x9: {  	[smem:$0x3FAF] =	sst s1  }
0xa: {  	[smem:$0x3FB0] =	sst s2  }
0xb: {  	[smem:$0x3FB1] =	sst s3  }
0xc: {  	[smem:$0x3FB2] =	sst s4  }
0xd: {  	[smem:$0x3FB3] =	sst s5  }
0xe: {  	[smem:$0x3FB4] =	sst s6  }
0xf: {  	[smem:$0x3FB5] =	sst s7  }
0x10: {  	[smem:$0x3FB6] =	sst s8  }
0x11: {  	[smem:$0x3FB7] =	sst s9;
	s0 =	simm.s32 @!p0 $0x0  }
0x12: {  	s1 =	sld [smem:$0x3F9D];
	s0 =	simm.s32 @p0 $0x1  }
0x13: {  	[smem:$0x3FB8] =	sst s0;
	s0 =	simm.s32 @!p1 $0x0  }
0x14: {  	s2 =	sld [smem:$0x3F9C];
	s0 =	simm.s32 @p1 $0x1  }
0x15: {  	[smem:$0x3FB9] =	sst s0;
	s0 =	simm.s32 @!p2 $0x0  }
0x16: {  	s3 =	sld [smem:$0x3FDB];
	s0 =	simm.s32 @p2 $0x1  }
0x17: {  	s4 =	simm.s32 $0x1BF5;
	[smem:$0x3FBB] =	sst s0  }
0x18: {  	s0 =	sld [smem:$0x3F9E];
	_ =	swait.ge [sflag:s4], $0x0  }
0x19: {  	s7 =	sld [smem:$0x3F9F]  }
0x1a: {  	s8 =	sadd.s32 $0xFFFFE003, lr  }
0x1b: {  	s9 =	sadd.s32 $0xFFFFFEF7, lr;
	s5 =	simm.s32 $0xFFFFFFFF;
	p2 =	slt.u32 s8, $0xFFFFF086  }
0x1c: {  	p1 =	slt.u32 s9, $0xF7A;
	s5 =	simm.s32 @!p2 $0x0  }
0x1d: {  	s5 =	simm.s32 @p1 $0x1;
	p0 =	seq.s32 s7, s2  }
0x1e: {  	s7 =	smul.u32 @!p0 $0xF7A, s2;
	p2 =	seq.s32 @!p0 s5, $0x0  }
0x1f: {  	s9 =	smul.u32 $0xF7A, s1;
	s8 =	simm.s32 @!p0 $0x1BF5;
	p2 =	por !p2, p0  }
0x20: {  	[sflag:s8] =	ssyncset.s32 @!p0 $0xFFFFF086;
	s6 =	sadd.s32 @!p0 s3, s7;
	s7 =	simm.s32 @!p0 $0x108  }
0x21: {  	s3 =	sadd.s32 s3, s9;
	s6 =	sadd.s32 @!p0 $0x88, s6;
	s7 =	simm.s32 @p2 $0x1082  }
0x22: {  	[simem:s7], [sflag:s8] =	dma.local @!p0 [hbm:s6], $0xF7A  }
0x23: {  	s9 =	sor.u32 $0xD0000000, s2;
	s6 =	simm.s32 $0x108;
	_ =	swait.ge @!p0 [sflag:s8], $0x0  }
0x24: {  	s3 =	sadd.s32 $0x88, s3;
	s6 =	simm.s32 @!p1 $0x1082;
	[sflag:s4] =	ssyncset.s32 $0xFFFFF086  }
0x25: {  	[simem:s6], [sflag:s4] =	dma.local [hbm:s3], $0xF7A  }
0x26: {  	[smem:$0x3F9F] =	sst s1;
	(tag) =	ssettag s2;
	_ =	strace s9  }
0x27: {  	s1 =	sld [smem:$0x3FAF]  }
0x28: {  	s2 =	sld [smem:$0x3FB0]  }
0x29: {  	s4 =	sld [smem:$0x3FB2]  }
0x2a: {  	p0 =	seq.s32 s5, $0x0;
	s5 =	sld [smem:$0x3FB3]  }
0x2b: {  	s6 =	sld [smem:$0x3FB4]  }
0x2c: {  	s7 =	sld [smem:$0x3FB5]  }
0x2d: {  	s3 =	simm.s32 $0x108;
	s8 =	sld [smem:$0x3FB6]  }
0x2e: {  	s3 =	simm.s32 @!p0 $0x1082;
	s9 =	sld [smem:$0x3FB7]  }
0x2f: {  	lr =	sadd.s32 s0, s3;
	s0 =	sld [smem:$0x3FAE]  }
0x30: {  	s3 =	sld [smem:$0x3FB1]  }
0x31: {  	[smem:$0x3FBA] =	sst s10  }
0x32: {  	s10 =	sld [smem:$0x3FB8];
	_ =	sdelay $0x3  }
0x33: {  	p0 =	seq.s32 s10, $0x1;
	s10 =	sld [smem:$0x3FBA];
	_ =	sdelay $0x3  }
0x34: {  	[smem:$0x3FBA] =	sst s10  }
0x35: {  	s10 =	sld [smem:$0x3FB9];
	_ =	sdelay $0x3  }
0x36: {  	p1 =	seq.s32 s10, $0x1;
	s10 =	sld [smem:$0x3FBA];
	_ =	sdelay $0x3  }
0x37: {  	[smem:$0x3FBA] =	sst s10  }
0x38: {  	s10 =	sld [smem:$0x3FBB]  }
0x39: {  	_ = 	snop;
	(pc) =	sbr.ind lr, $3  }
0x3a: {  	_ = 	snop  }
0x3b: {  	_ = 	snop  }
0x3c: {  	p2 =	seq.s32 s10, $0x1;
	s10 =	sld [smem:$0x3FBA]  }
0x3d: {  	_ =	shalt  }
0x3e: {  	_ =	shalt  }
0x3f: {  	_ =	shalt  }
0x40: {  	_ =	shalt  }
0x41: {  	_ =	shalt  }
0x42: {  	_ =	shalt  }
0x43: {  	_ =	shalt  }
0x44: {  	_ =	shalt  }
0x45: {  	_ =	shalt  }
0x46: {  	_ =	shalt  }
0x47: {  	_ =	shalt  }
0x48: {  	_ =	shalt  }
0x49: {  	_ =	shalt  }
0x4a: {  	_ =	shalt  }
0x4b: {  	_ =	shalt  }
0x4c: {  	_ =	shalt  }
0x4d: {  	_ =	shalt  }
0x4e: {  	_ =	shalt  }
0x4f: {  	_ =	shalt  }
0x50: {  	_ =	shalt  }
0x51: {  	_ =	shalt  }
0x52: {  	_ =	shalt  }
0x53: {  	_ =	shalt  }
0x54: {  	_ =	shalt  }
0x55: {  	_ =	shalt  }
0x56: {  	_ =	shalt  }
0x57: {  	_ =	shalt  }
0x58: {  	_ =	shalt  }
0x59: {  	_ =	shalt  }
0x5a: {  	_ =	shalt  }
0x5b: {  	_ =	shalt  }
0x5c: {  	_ =	shalt  }
0x5d: {  	_ =	shalt  }
0x5e: {  	_ =	shalt  }
0x5f: {  	_ =	shalt  }
0x60: {  	_ =	shalt  }
0x61: {  	_ =	shalt  }
0x62: {  	_ =	shalt  }
0x63: {  	_ =	shalt  }
0x64: {  	_ =	shalt  }
0x65: {  	_ =	shalt  }
0x66: {  	_ =	shalt  }
0x67: {  	_ =	shalt  }
0x68: {  	_ =	shalt  }
0x69: {  	_ =	shalt  }
0x6a: {  	_ =	shalt  }
0x6b: {  	_ =	shalt  }
0x6c: {  	_ =	shalt  }
0x6d: {  	_ =	shalt  }
0x6e: {  	_ =	shalt  }
0x6f: {  	_ =	shalt  }
0x70: {  	_ =	shalt  }
0x71: {  	_ =	shalt  }
0x72: {  	_ =	shalt  }
0x73: {  	_ =	shalt  }
0x74: {  	_ =	shalt  }
0x75: {  	_ =	shalt  }
0x76: {  	_ =	shalt  }
0x77: {  	_ =	shalt  }
0x78: {  	_ =	shalt  }
0x79: {  	_ =	shalt  }
0x7a: {  	_ =	shalt  }
0x7b: {  	_ =	shalt  }
0x7c: {  	_ =	shalt  }
0x7d: {  	_ =	shalt  }
0x7e: {  	_ =	shalt  }
0x7f: {  	_ =	shalt  }
0x80: {  	_ =	shalt  }
0x81: {  	_ =	shalt  }
0x82: {  	_ =	shalt  }
0x83: {  	_ =	shalt  }
0x84: {  	_ =	shalt  }
0x85: {  	_ =	shalt  }
0x86: {  	_ =	shalt  }
0x87: {  	_ =	shalt  }
.Lfunc_end0:
.L_simem_size_0:
called_computation_lowered:
.L_overlay_start_0:
0x88: {  	s2 =	sld [smem:$0x3FD9]  }
0x89: {  	s3 =	sld [smem:$0x3FFE];
	_ =	sdelay $0x1  }
0x8a: {  	s1 =	srdreg.scid  }
0x8b: {  	s0 =	sand.u32 $0x1, s1  }
0x8c: {  	s17 =	sshll.u32 s0, $0xA;
	s2 =	sadd.s32 s3, s2  }
0x8d: {  	s2 =	sadd.s32 s2, s17  }
0x8e: {  	[smem:$0x3FC6] =	sst s2  }
0x8f: {  	_ = 	snop  }
0x90: {  	s2 =	sld [smem:$0x3FD0];
	(tm) =	ssettm $0x1  }
0x91: {  	s18 =	sld [smem:$0x3FFB];
	_ =	sdelay $0x3  }
0x92: {  	_ =	strace s18  }
0x93: {  	s3 =	sld [smem:$0x3FFC];
	_ =	sdelay $0x3  }
0x94: {  	_ =	strace s3  }
0x95: {  	s3 =	sld [smem:$0x3FFD];
	_ =	sdelay $0x3  }
0x96: {  	_ =	strace s3  }
0x97: {  	_ =	strace $0x8FFFFFFF  }
0x98: {  	s19 =	sld [smem:$0x3FDB];
	_ =	sdelay $0x1  }
0x99: {  	s4 =	simm.s32 $_scs_section_size  }
0x9a: {  	s5 =	simm.s32 $_size__tile_overlayer_lowered;
	s6 =	simm.s32 $_tile_overlayer_lowered  }
0x9b: {  	s22 =	simm.s32 $0x1BFF;
	s21 =	sshll.u32 s6, $0x1;
	s3 =	sadd.s32 s4, s19  }
0x9c: {  	s7 =	simm.s32 $0x0;
	s20 =	sshll.u32 s5, $0x1;
	s5 =	sadd.s32 s21, s3  }
0x9d: {  	[timem:s7], [sflag:s22] =	dma.local [hbm:s5], s20  }
0x9e: {  	_ =	swait.ge [sflag:s22], s20  }
0x9f: {  	s4 =	ssub.s32 $0x0, s20;
	[sflag:s22] =	ssyncset.done $0x0  }
0xa0: {  	[sflag:s22] =	ssyncadd.s32 s4;
	_ =	sdelay $0x1  }
0xa1: {  	s23 =	simm.s32 $0x1B8B  }
0xa2: {  	_ =	swait.ge [sflag:s23], $0x1  }
0xa3: {  	[sflag:s23] =	ssyncset.done $0x0  }
0xa4: {  	s25 =	simm.s32 $0x1B8E;
	s24 =	sld [smem:$0x3FFE];
	[sflag:s23] =	ssyncadd.s32 $0xFFFFFFFF  }
0xa5: {  	s26 =	simm.s32 $execute0_lowered;
	[smem:$0x3FD2] =	sst s25  }
0xa6: {  	s5 =	sshll.u32 s26, $0x1;
	_ =	strace $0x80000046;
	[dreg:$0x1] =	wrdreg $0xFFFFFFFF  }
0xa7: {  	s28 =	simm.s32 $_size_execute0_lowered;
	s3 =	sadd.s32 s3, s5;
	[dreg:$0x0] =	wrdreg $0x0  }
0xa8: {  	s5 =	sshll.u32 s28, $0x1;
	[dreg:$0x2] =	wrdreg s3  }
0xa9: {  	[dreg:$0x3] =	wrdreg s5  }
0xaa: {  	[dreg:$0x4] =	wrdreg $0xC0  }
0xab: {  	_ =	task [dreg:s7], $0x5FFFF  }
0xac: {  	[dreg:$0x1] =	wrdreg $0xFFFFFFFF  }
0xad: {  	[dreg:$0x0] =	wrdreg $0x60  }
0xae: {  	[dreg:$0x2] =	wrdreg s24  }
0xaf: {  	[dreg:$0x3] =	wrdreg s2  }
0xb0: {  	[dreg:$0x4] =	wrdreg $0x9  }
0xb1: {  	_ =	task.clear_ibuf [dreg:s7], $0x5FFFF;
	_ =	strace $0x90000046  }
0xb2: {  	s29 =	simm.s32 $0x9;
	_ =	strace $0x80000048  }
0xb3: {  	_ =	swait.ge [sflag:s29], $0x1  }
0xb4: {  	[sflag:s29] =	ssyncadd.s32 $0xFFFFFFFF  }
0xb5: {  	_ =	strace $0x90000048  }
0xb6: {  	_ =	sfence  }
0xb7: {  	s30 =	sld [smem:$0x0];
	_ =	sdelay $0x2  }
0xb8: {  	s31 =	sshll.u32 s1, $0xD;
	s1 =	sshrl.u32 s1, $0x2  }
0xb9: {  	s3 =	sand.u32 $0x4000, s31;
	s1 =	sadd.s32 s1, s30  }
0xba: {  	s0 =	sor.u32 s3, s0;
	s1 =	sshll.u32 s1, $0x11  }
0xbb: {  	s0 =	sor.u32 s1, s0  }
0xbc: {  	s0 =	sadd.s32 $0x8F2B, s0  }
0xbd: {  	[sflag:s0] =	ssyncadd.remote.s32 $0x1  }
0xbe: {  	_ =	sfence.sel $0xFFFF  }
0xbf: {  	[dreg:$0x0] =	wrdreg $0xFFFFFFFF;
	(pc) =	sbr.abs _section_cstart, $3  }
0xc0: {  	[dreg:$0x1] =	wrdreg $0xFFFFFFFF  }
0xc1: {  	_ =	task.clear_ibuf [dreg:s7], $0x2FFFF;
	_ =	strace $0x9FFFFFFF  }
0xc2: {  	(tm) =	ssettm $0x7FFFFFFF  }
0xc3: {  	_ =	shalt  }
tec
execute0_lowered:
.L_overlay_start_1:
0x0: {  	(tag) =	ssettag $0x1  }
0x1: {  	v14 =	vlaneseq.u32  }
0x2: {  	v0 =	vmul.u32 $0x38, v14  }
0x3: {  	s0 =	rddreg [dreg:$0x0];
	s2 =	simm.s32 $0x0  }
0x4: {  	[smem:$0x7FF] =	sst s2;
	v1 =	vadd.s32 $0x380, v0  }
0x5: {  	s1 =	rddreg [dreg:$0x1];
	s3 =	srdreg.scid;
	_ =	strace $0x80000047;
	v54 =	vadd.s32 $0x700, v0;
	[tilespmem:$0x1FF40] =	vst v1  }
0x6: {  	s6 =	stileid.u32;
	s15 =	simm.s32 $0x3D00;
	s23 =	simm.s32 $0x4E00;
	v17 =	vimm.s32 $0x0;
	v55 =	vadd.s32 $0xA80, v0;
	[tilespmem:$0x1FF50] =	vst v54  }
0x7: {  	s14 =	simm.s32 $0x1;
	vm0 =	vcmask $0x300;
	s18 =	simm.s32 $0x58A0;
	s19 =	simm.s32 $0x5928;
	v14 =	vmul.u32 $0x88, v14;
	v56 =	vadd.s32 $0xE00, v0;
	[tilespmem:$0x1FF60] =	vst v55  }
0x8: {  	s20 =	simm.s32 $0x59B0;
	s21 =	simm.s32 $0x5A38;
	s9 =	simm.s32 $0x5BD0;
	v17 =	vsel vm0, $0x3, v17;
	v5 =	vadd.s32 $0x1180, v0;
	v57 =	vor.u32 $0x1, v0;
	[tilespmem:$0x1FF70] =	vst v56  }
0x9: {  	s22 =	simm.s32 $0x2;
	s28 =	simm.s32 $0x5CE0;
	s29 =	simm.s32 $0x5D68;
	v6 =	vadd.s32 $0x1500, v0;
	v7 =	vadd.s32 $0x1880, v0;
	v58 =	vadd.s32 $0x381, v0;
	[tilespmem:$0x1FF80] =	vst v57  }
0xa: {  	s30 =	simm.s32 $0x5DF0;
	s31 =	simm.s32 $0x5E78;
	s17 =	simm.s32 $0x80;
	v59 =	vadd.s32 $0x701, v0;
	v60 =	vadd.s32 $0xA81, v0;
	v61 =	vadd.s32 $0xE01, v0;
	[tilespmem:$0x1FF90] =	vst v58  }
0xb: {  	s3 =	sand.u32 $0x1, s3;
	s5 =	sadd.s32 $0x600, s0;
	s6 =	sshll.u32 s6, $0x3;
	v62 =	vadd.s32 $0x1181, v0;
	v63 =	vadd.s32 $0x1501, v0;
	v4 =	vmovc v0;
	v0 =	vadd.s32 $0x1881, v0;
	[tilespmem:$0x1FFA0] =	vst v59  }
.Ltmp0:
0xc: {  	s4 =	ssub.s32 $0x2, s3;
	s3 =	sshll.u32 s3, $0x2;
	v18 =	vadd.s32 $0x880, v14;
	v19 =	vor.u32 $0x1, v14;
	v20 =	vadd.s32 $0x881, v14;
	[tilespmem:$0x1FFB0] =	vst v60;
	(pc) =	sbr.rel .LBB2_1-.Ltmp0, $4  }
0xd: {  	[dreg:$0x3] =	wrdreg s5;
	s24 =	sshrl.u32 s4, $0x1;
	s25 =	sor.u32 s3, s6;
	v21 =	vor.u32 $0x2, v14;
	v22 =	vadd.s32 $0x882, v14;
	v23 =	vor.u32 $0x3, v14;
	[tilespmem:$0x1FFC0] =	vst v61  }
0xe: {  	s5 =	sadd.s32 $0xF42A00, s0;
	v24 =	vadd.s32 $0x883, v14;
	v25 =	vor.u32 $0x4, v14;
	v26 =	vadd.s32 $0x884, v14;
	s4 =	ssub.s32 s4, s24;
	[dreg:$0x4] =	wrdreg s25;
	[tilespmem:$0x1FFD0] =	vst v62  }
0xf: {  	v27 =	vor.u32 $0x5, v14;
	v28 =	vadd.s32 $0x885, v14;
	v29 =	vor.u32 $0x6, v14;
	[tilespmem:$0x1FFE0] =	vst v63;
	s24 =	simm.s32 $0x5AC0;
	s25 =	simm.s32 $0x5B48;
	s26 =	smax.u32 s4, $0x1  }
0x10: {  	v30 =	vadd.s32 $0x886, v14;
	v31 =	vor.u32 $0x7, v14;
	v32 =	vadd.s32 $0x887, v14;
	[tilespmem:$0x1FFF0] =	vst v0;
	s4 =	simm.s32 $0x0;
	[dreg:$0x5] =	wrdreg s26;
	s26 =	simm.s32 $0x5C58  }
.LBB2_10:
0x11: {  	s0 =	simm.s32 $0x3  }
0x12: {  	_ =	swait.ge [sflag:s0], $0x1000  }
0x13: {  	[sflag:s0] =	ssyncset.done $0x0  }
0x14: {  	s3 =	simm.s32 $0x4;
	[sflag:s0] =	ssyncadd.s32 $0xFFFFF000  }
0x15: {  	_ =	swait.ge [sflag:s3], $0x1000  }
0x16: {  	s4 =	rddreg [dreg:$0x6]  }
0x17: {  	s16 =	rddreg [dreg:$0x5];
	s4 =	sadd.s32 $0x1, s4  }
0x18: {  	p0 =	sne.s32 s4, s16  }
.Ltmp1:
0x19: {  	_ = 	snop;
	(pc) =	sbr.rel @!p0 .LBB2_11-.Ltmp1, $3  }
0x1a: {  	_ =	sdelay $0x1  }
0x1b: {  	[sflag:s3] =	ssyncset.done $0x0  }
0x1c: {  	[sflag:s3] =	ssyncadd.s32 $0xFFFFF000  }
.LBB2_1:
.Ltmp2:
0x1d: {  	(pc) =	sbr.rel .LBB2_2-.Ltmp2, $2  }
0x1e: {  	_ =	sdelay $0x2  }
0x1f: {  	[dreg:$0x6] =	wrdreg s4;
	s0 =	simm.s32 $0x0  }
.LBB2_9:
0x20: {  	s0 =	sadd.s32 $0x1, s0  }
0x21: {  	p0 =	sne.s32 s0, $0x4  }
.Ltmp3:
0x22: {  	_ = 	snop;
	(pc) =	sbr.rel @!p0 .LBB2_10-.Ltmp3, $1  }
0x23: {  	_ =	sdelay $0x3  }
.LBB2_2:
0x24: {  	s3 =	rddreg [dreg:$0x4]  }
0x25: {  	s4 =	sadd.s32 s3, s0  }
0x26: {  	s3 =	smul.u32 $0x380, s4  }
0x27: {  	s6 =	rddreg [dreg:$0x3]  }
0x28: {  	s11 =	simm.s32 $0x5;
	s6 =	sadd.s32 s6, s3;
	s3 =	simm.s32 $0x0  }
0x29: {  	[tilespmem:s3], [sflag:$0x5] =	stream.linear.gather [hbm4b:s6+s3], $0x1C00, $0x38;
	[tilespmem:$0x5F00] =	vst v63  }
0x2a: {  	_ =	swait.ge [sflag:s11], $0x1C00  }
0x2b: {  	v0 =	vld [tilespmem:$0x1FF40]  }
0x2c: {  	v47 =	vld [tilespmem:$0x1FF50]  }
0x2d: {  	v48 =	vld [tilespmem:$0x1FF60]  }
0x2e: {  	v49 =	vld [tilespmem:$0x1FF70]  }
0x2f: {  	[sflag:s11] =	ssyncset.done $0x0;
	v53 =	vld [tilespmem:$0x1FF80]  }
0x30: {  	v54 =	vld [tilespmem:$0x1FF90];
	[sflag:s11] =	ssyncadd.s32 $0xFFFFE400  }
0x31: {  	v33 =	vld.idx.msk [tilespmem:v4+s3+$0x0], $0xffff  }
0x32: {  	v50 =	vld.idx.msk [tilespmem:v5+s3+$0x0], $0xffff  }
0x33: {  	v51 =	vld.idx.msk [tilespmem:v6+s3+$0x0], $0xffff  }
0x34: {  	v52 =	vld.idx.msk [tilespmem:v7+s3+$0x0], $0xffff  }
0x35: {  	v34 =	vld.idx.msk [tilespmem:v0+s3+$0x0], $0xffff  }
0x36: {  	[tilespmem:$0x1C00] =	vst v33;
	v35 =	vld.idx.msk [tilespmem:v47+s3+$0x0], $0xffff  }
0x37: {  	[tilespmem:$0x1C50] =	vst v50;
	v36 =	vld.idx.msk [tilespmem:v48+s3+$0x0], $0xffff  }
0x38: {  	[tilespmem:$0x1C60] =	vst v51;
	v37 =	vld.idx.msk [tilespmem:v49+s3+$0x0], $0xffff  }
0x39: {  	v55 =	vld [tilespmem:$0x1FFA0];
	[tilespmem:$0x1C70] =	vst v52  }
0x3a: {  	v56 =	vld [tilespmem:$0x1FFB0];
	[tilespmem:$0x1C10] =	vst v34  }
0x3b: {  	v57 =	vld [tilespmem:$0x1FFC0];
	[tilespmem:$0x1C20] =	vst v35  }
0x3c: {  	v58 =	vld [tilespmem:$0x1FFD0];
	[tilespmem:$0x1C30] =	vst v36  }
0x3d: {  	s12 =	simm.s32 $0x80;
	s7 =	simm.s32 $0x1C00;
	s8 =	simm.s32 $0x1D00;
	v60 =	vld [tilespmem:$0x1FFE0];
	[tilespmem:$0x1C40] =	vst v37  }
0x3e: {  	v62 =	vld [tilespmem:$0x1FFF0];
	[tilespmem:s8], [sflag:$0x1] =	stream.indirect.gather [hbm4b:s5+s12], $0x20, s7, s12, $0xb8  }
0x3f: {  	v33 =	vld.idx.msk [tilespmem:v53+s3+$0x0], $0xffff  }
0x40: {  	v34 =	vld.idx.msk [tilespmem:v54+s3+$0x0], $0xffff  }
0x41: {  	v35 =	vld.idx.msk [tilespmem:v55+s3+$0x0], $0xffff  }
0x42: {  	v36 =	vld.idx.msk [tilespmem:v56+s3+$0x0], $0xffff  }
0x43: {  	v37 =	vld.idx.msk [tilespmem:v57+s3+$0x0], $0xffff  }
0x44: {  	v59 =	vld.idx.msk [tilespmem:v58+s3+$0x0], $0xffff;
	[tilespmem:$0x1C80] =	vst v33  }
0x45: {  	v61 =	vld.idx.msk [tilespmem:v60+s3+$0x0], $0xffff;
	[tilespmem:$0x1C90] =	vst v34  }
0x46: {  	v63 =	vld.idx.msk [tilespmem:v62+s3+$0x0], $0xffff;
	[tilespmem:$0x1CA0] =	vst v35  }
0x47: {  	[tilespmem:$0x1CB0] =	vst v36  }
0x48: {  	[tilespmem:$0x1CC0] =	vst v37  }
0x49: {  	[tilespmem:$0x1CD0] =	vst v59  }
0x4a: {  	s13 =	simm.s32 $0x1C80;
	[tilespmem:$0x1CE0] =	vst v61  }
0x4b: {  	s16 =	simm.s32 $0x2D00;
	s10 =	simm.s32 $0x0;
	s7 =	sshll.u32 s4, $0x7;
	[tilespmem:$0x1CF0] =	vst v63  }
0x4c: {  	[tilespmem:s16], [sflag:$0x2] =	stream.indirect.gather [hbm4b:s5+s12], $0x20, s13, s12, $0xb8;
	[tilespmem:$0x5F00] =	vst v63  }
.LBB2_3:
0x4d: {  	v33 =	vmov s3  }
0x4e: {  	s4 =	simm.s32 $0x1;
	s6 =	simm.s32 $0x2;
	s8 =	simm.s32 $0x3;
	v33 =	vshrl.u32 v33, $0x3  }
0x4f: {  	s12 =	simm.s32 $0x4;
	s13 =	simm.s32 $0x5;
	s16 =	simm.s32 $0x6;
	v34 =	vmov s4;
	v35 =	vmov s6;
	v36 =	vmov s8  }
0x50: {  	s11 =	simm.s32 $0x9;
	v37 =	vmov s12;
	v38 =	vmov s13;
	s6 =	simm.s32 $0x7;
	v39 =	vmov s16;
	s8 =	simm.s32 $0x8  }
0x51: {  	v42 =	vmov s11;
	s12 =	simm.s32 $0xA;
	s13 =	simm.s32 $0xB;
	s16 =	simm.s32 $0xC;
	v40 =	vmov s6;
	v41 =	vmov s8  }
0x52: {  	s11 =	simm.s32 $0xE;
	v43 =	vmov s12;
	v44 =	vmov s13;
	v45 =	vmov s16  }
0x53: {  	v33 =	vshll.u32 v33, v17;
	v47 =	vmov s11;
	v34 =	vshrl.u32 v34, $0x3  }
0x54: {  	_ =	swait.ge [sflag:s14], $0x1000;
	s12 =	sor.u32 s0, s10;
	v35 =	vshrl.u32 v35, $0x3;
	v36 =	vshrl.u32 v36, $0x3;
	s13 =	simm.s32 $0xF;
	v37 =	vshrl.u32 v37, $0x3  }
0x55: {  	[sflag:s14] =	ssyncset.done $0x0;
	s6 =	simm.s32 $0xD;
	v38 =	vshrl.u32 v38, $0x3;
	v39 =	vshrl.u32 v39, $0x3;
	p0 =	seq.s32 s12, $0x0;
	v48 =	vmov s13  }
0x56: {  	[sflag:s14] =	ssyncadd.s32 $0xFFFFF000;
	v42 =	vshrl.u32 v42, $0x3;
	v46 =	vmov s6;
	s4 =	simm.s32 @!p0 $0x3;
	v48 =	vshrl.u32 v48, $0x3  }
0x57: {  	v40 =	vshrl.u32 v40, $0x3;
	v41 =	vshrl.u32 v41, $0x3;
	_ =	swait.ge @!p0 [sflag:s4], $0x1000;
	v48 =	vshll.u32 v48, v17  }
0x58: {  	v43 =	vshrl.u32 v43, $0x3;
	v44 =	vshrl.u32 v44, $0x3;
	[sflag:s4] =	ssyncset.done @!p0 $0x0;
	v48 =	vbroadcast v48, $0x0  }
0x59: {  	v33 =	vbroadcast v33, $0x0;
	v34 =	vshll.u32 v34, v17;
	v0 =	vshll.u32 v36, v17;
	[sflag:s4] =	ssyncadd.s32 @!p0 $0xFFFFF000;
	s4 =	simm.s32 $0x1E00  }
0x5a: {  	v63 =	vshll.u32 v35, v17;
	v55 =	vbroadcast v0, $0x0;
	v35 =	vld [tilespmem:s4+$0xE0];
	v50 =	vadd.s32 v31, v48  }
0x5b: {  	v45 =	vshrl.u32 v45, $0x3;
	v49 =	vbroadcast v34, $0x0;
	v52 =	vadd.s32 v14, v33;
	v51 =	vld [tilespmem:s4+$0xFFFFFF00]  }
0x5c: {  	v2 =	vshll.u32 v37, v17;
	v53 =	vbroadcast v63, $0x0;
	v58 =	vadd.s32 v23, v55;
	v10 =	vld [tilespmem:s4+$0xFFFFFF60]  }
0x5d: {  	v38 =	vshll.u32 v38, v17;
	v57 =	vbroadcast v2, $0x0;
	v54 =	vadd.s32 v19, v49;
	v1 =	vld [tilespmem:s4+$0xFFFFFF20]  }
0x5e: {  	v61 =	vbroadcast v38, $0x0;
	v63 =	vshll.u32 v42, v17;
	v56 =	vadd.s32 v21, v53;
	v9 =	vld [tilespmem:s4+$0xFFFFFF40]  }
0x5f: {  	v11 =	vshll.u32 v39, v17;
	v63 =	vbroadcast v63, $0x0;
	v60 =	vadd.s32 v25, v57;
	v59 =	vld [tilespmem:s4+$0xFFFFFF80];
	[tilespmem:v50+s15+$0x0] =	vst.idx.msk $0xffff, v35  }
0x60: {  	v47 =	vshrl.u32 v47, $0x3;
	v36 =	vld [tilespmem:s4+$0xFFFFFFA0];
	[tilespmem:v52+s15+$0x0] =	vst.idx.msk $0xffff, v51;
	v51 =	vshll.u32 v40, v17;
	v40 =	vadd.s32 v27, v61  }
0x61: {  	v0 =	vshll.u32 v43, v17;
	v52 =	vbroadcast v11, $0x0;
	[tilespmem:v58+s15+$0x0] =	vst.idx.msk $0xffff, v10;
	v10 =	vld [tilespmem:s4+$0x20];
	v11 =	vadd.s32 v19, v63  }
0x62: {  	v39 =	vadd.s32 v32, v48;
	[tilespmem:v54+s15+$0x0] =	vst.idx.msk $0xffff, v1;
	v54 =	vshll.u32 v41, v17;
	v38 =	vld [tilespmem:s4+$0xF0];
	v62 =	vbroadcast v51, $0x0  }
0x63: {  	v49 =	vadd.s32 v20, v49;
	v37 =	vld [tilespmem:s4+$0xFFFFFFC0];
	[tilespmem:v56+s15+$0x0] =	vst.idx.msk $0xffff, v9;
	v56 =	vbroadcast v54, $0x0;
	v41 =	vadd.s32 v29, v52  }
0x64: {  	v46 =	vshrl.u32 v46, $0x3;
	v16 =	vadd.s32 v22, v53;
	v42 =	vld [tilespmem:s4+$0xFFFFFFE0];
	[tilespmem:v60+s15+$0x0] =	vst.idx.msk $0xffff, v59;
	v48 =	vadd.s32 v31, v62  }
0x65: {  	v8 =	vbroadcast v0, $0x0;
	v1 =	vld [tilespmem:s4+$0x0];
	v9 =	vshll.u32 v44, v17;
	v2 =	vadd.s32 v14, v56;
	[tilespmem:v40+s15+$0x0] =	vst.idx.msk $0xffff, v36  }
0x66: {  	v55 =	vadd.s32 v24, v55;
	v34 =	vbroadcast v9, $0x0;
	v54 =	vshll.u32 v45, v17;
	v15 =	vld [tilespmem:s4+$0xFFFFFF50];
	[tilespmem:v11+s15+$0x0] =	vst.idx.msk $0xffff, v10  }
0x67: {  	v57 =	vadd.s32 v26, v57;
	v58 =	vshll.u32 v46, v17;
	v35 =	vbroadcast v54, $0x0;
	v11 =	vld [tilespmem:s4+$0xFFFFFF30];
	[tilespmem:v39+s15+$0x0] =	vst.idx.msk $0xffff, v38  }
0x68: {  	s16 =	simm.s32 $0x10;
	v59 =	vshll.u32 v47, v17;
	v40 =	vld [tilespmem:s4+$0x60];
	v36 =	vbroadcast v58, $0x0;
	[tilespmem:v41+s15+$0x0] =	vst.idx.msk $0xffff, v37;
	v41 =	vadd.s32 v23, v34  }
0x69: {  	s12 =	simm.s32 $0x13;
	v60 =	vmov s16;
	v0 =	vadd.s32 v25, v35;
	v37 =	vbroadcast v59, $0x0;
	[tilespmem:v48+s15+$0x0] =	vst.idx.msk $0xffff, v42;
	v42 =	vld [tilespmem:s4+$0x80]  }
0x6a: {  	s8 =	simm.s32 $0x11;
	s13 =	simm.s32 $0x14;
	v45 =	vshrl.u32 v60, $0x3;
	v60 =	vmov s12;
	[tilespmem:v2+s15+$0x0] =	vst.idx.msk $0xffff, v1;
	v1 =	vld [tilespmem:s4+$0xA0];
	v2 =	vadd.s32 v27, v36  }
0x6b: {  	v44 =	vld [tilespmem:s4+$0xC0];
	v9 =	vmov s13;
	s12 =	simm.s32 $0x17;
	v54 =	vmov s8;
	[tilespmem:v16+s15+$0x0] =	vst.idx.msk $0xffff, v15;
	v58 =	vadd.s32 v29, v37  }
0x6c: {  	s16 =	simm.s32 $0x15;
	v13 =	vmov s12;
	s8 =	simm.s32 $0x1A;
	v47 =	vshll.u32 v45, v17;
	v38 =	vld [tilespmem:s4+$0x40];
	v39 =	vadd.s32 v21, v8;
	[tilespmem:v49+s15+$0x0] =	vst.idx.msk $0xffff, v11  }
0x6d: {  	s11 =	simm.s32 $0x12;
	v45 =	vshrl.u32 v60, $0x3;
	v51 =	vmov s8;
	v10 =	vmov s16;
	s16 =	simm.s32 $0x19;
	[tilespmem:v41+s15+$0x0] =	vst.idx.msk $0xffff, v40;
	v41 =	vld [tilespmem:s4+$0xFFFFFF70]  }
0x6e: {  	v60 =	vadd.s32 v18, v56;
	v50 =	vmov s16;
	v59 =	vmov s11;
	s11 =	simm.s32 $0x16;
	[tilespmem:v0+s15+$0x0] =	vst.idx.msk $0xffff, v42;
	v42 =	vld [tilespmem:s4+$0xFFFFFF90]  }
0x6f: {  	s12 =	simm.s32 $0x1C;
	v43 =	vshrl.u32 v10, $0x3;
	v12 =	vmov s11;
	s11 =	simm.s32 $0x1B;
	[tilespmem:v2+s15+$0x0] =	vst.idx.msk $0xffff, v1;
	v0 =	vld [tilespmem:s4+$0xFFFFFFB0];
	v1 =	vadd.s32 v28, v61  }
0x70: {  	v48 =	vmov s12;
	v53 =	vld [tilespmem:s4+$0xFFFFFFD0];
	v46 =	vmov s11;
	[tilespmem:v58+s15+$0x0] =	vst.idx.msk $0xffff, v44;
	v58 =	vadd.s32 v30, v52  }
0x71: {  	s13 =	simm.s32 $0x18;
	s16 =	simm.s32 $0x1E;
	v49 =	vshrl.u32 v59, $0x3;
	v59 =	vadd.s32 v32, v62;
	[tilespmem:v39+s15+$0x0] =	vst.idx.msk $0xffff, v38;
	v52 =	vshrl.u32 v54, $0x3;
	v54 =	vld [tilespmem:s4+$0xFFFFFFF0]  }
0x72: {  	v62 =	vadd.s32 v22, v8;
	v39 =	vmov s16;
	v40 =	vmov s13;
	s13 =	simm.s32 $0x1D;
	[tilespmem:v55+s15+$0x0] =	vst.idx.msk $0xffff, v41;
	v55 =	vld [tilespmem:s4+$0x10]  }
0x73: {  	v56 =	vld [tilespmem:s4+$0x30];
	v38 =	vmov s13;
	v61 =	vadd.s32 v20, v63;
	v40 =	vshrl.u32 v40, $0x3;
	[tilespmem:v57+s15+$0x0] =	vst.idx.msk $0xffff, v42  }
0x74: {  	s6 =	simm.s32 $0x20;
	s8 =	simm.s32 $0x1F;
	s11 =	sshll.u32 s10, $0x1;
	v44 =	vshrl.u32 v9, $0x3;
	v41 =	vshrl.u32 v12, $0x3;
	v42 =	vshrl.u32 v13, $0x3;
	[tilespmem:v1+s15+$0x0] =	vst.idx.msk $0xffff, v0;
	v57 =	vld [tilespmem:s4+$0x50]  }
.LBB2_4:
0x75: {  	p1 =	slt.u32 s6, $0x70;
	v0 =	vshrl.u32 v50, $0x3;
	v1 =	vmov s8;
	[tilespmem:v58+s15+$0x0] =	vst.idx.msk $0xffff, v53;
	v8 =	vld [tilespmem:s4+$0x70];
	v9 =	vadd.s32 v24, v34  }
0x76: {  	v10 =	vshrl.u32 v51, $0x3;
	v12 =	vadd.s32 v26, v35;
	v1 =	vshrl.u32 v1, $0x3;
	[tilespmem:v59+s15+$0x0] =	vst.idx.msk $0xffff, v54;
	v11 =	vld [tilespmem:s4+$0x90]  }
0x77: {  	v13 =	vshrl.u32 v46, $0x3;
	v16 =	vadd.s32 v28, v36;
	v1 =	vshll.u32 v1, v17;
	[tilespmem:v60+s15+$0x0] =	vst.idx.msk $0xffff, v55;
	v15 =	vld [tilespmem:s4+$0xB0]  }
0x78: {  	v35 =	vshrl.u32 v48, $0x3;
	v36 =	vadd.s32 v30, v37;
	v1 =	vbroadcast v1, $0x0;
	[tilespmem:v61+s15+$0x0] =	vst.idx.msk $0xffff, v56;
	v34 =	vld [tilespmem:s4+$0xD0]  }
0x79: {  	v37 =	vshll.u32 v52, v17;
	v48 =	vadd.s32 v18, v33;
	v33 =	vbroadcast v47, $0x0;
	v46 =	vld [tilespmem:s4+$0xFFFFFF10];
	[tilespmem:v62+s15+$0x0] =	vst.idx.msk $0xffff, v57;
	s4 =	sadd.s32 $0x200, s4  }
0x7a: {  	v47 =	vbroadcast v37, $0x0;
	v37 =	vshll.u32 v49, v17;
	v49 =	vld [tilespmem:s4+$0xE0];
	v50 =	vadd.s32 v31, v1;
	[tilespmem:v9+s15+$0x0] =	vst.idx.msk $0xffff, v8  }
0x7b: {  	v51 =	vbroadcast v37, $0x0;
	v37 =	vshll.u32 v45, v17;
	v9 =	vadd.s32 v14, v33;
	v8 =	vld [tilespmem:s4+$0xFFFFFF00];
	[tilespmem:v12+s15+$0x0] =	vst.idx.msk $0xffff, v11  }
0x7c: {  	v45 =	vbroadcast v37, $0x0;
	v37 =	vshll.u32 v44, v17;
	v12 =	vadd.s32 v19, v47;
	v11 =	vld [tilespmem:s4+$0xFFFFFF20];
	[tilespmem:v16+s15+$0x0] =	vst.idx.msk $0xffff, v15  }
0x7d: {  	v44 =	vbroadcast v37, $0x0;
	v37 =	vshrl.u32 v38, $0x3;
	v16 =	vadd.s32 v21, v51;
	v15 =	vld [tilespmem:s4+$0xFFFFFF40];
	[tilespmem:v36+s15+$0x0] =	vst.idx.msk $0xffff, v34  }
0x7e: {  	v39 =	vshrl.u32 v39, $0x3;
	v38 =	vshll.u32 v43, v17;
	v36 =	vadd.s32 v23, v45;
	v34 =	vld [tilespmem:s4+$0xFFFFFF60];
	[tilespmem:v48+s15+$0x0] =	vst.idx.msk $0xffff, v46  }
0x7f: {  	v52 =	vbroadcast v38, $0x0;
	v38 =	vshll.u32 v41, v17;
	v46 =	vadd.s32 v25, v44;
	v43 =	vld [tilespmem:s4+$0xFFFFFF80];
	[tilespmem:v50+s15+$0x0] =	vst.idx.msk $0xffff, v49  }
0x80: {  	v1 =	vadd.s32 v32, v1;
	[tilespmem:v9+s15+$0x0] =	vst.idx.msk $0xffff, v8;
	v8 =	vbroadcast v38, $0x0;
	v9 =	vshll.u32 v42, v17;
	v38 =	vld [tilespmem:s4+$0xF0]  }
0x81: {  	v40 =	vshll.u32 v40, v17;
	[tilespmem:v12+s15+$0x0] =	vst.idx.msk $0xffff, v11;
	v11 =	vld [tilespmem:s4+$0xFFFFFFA0];
	v12 =	vadd.s32 v27, v52;
	v9 =	vbroadcast v9, $0x0  }
0x82: {  	v40 =	vbroadcast v40, $0x0;
	v0 =	vshll.u32 v0, v17;
	[tilespmem:v16+s15+$0x0] =	vst.idx.msk $0xffff, v15;
	v15 =	vld [tilespmem:s4+$0xFFFFFFC0];
	v16 =	vadd.s32 v29, v8  }
0x83: {  	v10 =	vshll.u32 v10, v17;
	v0 =	vbroadcast v0, $0x0;
	[tilespmem:v36+s15+$0x0] =	vst.idx.msk $0xffff, v34;
	v41 =	vld [tilespmem:s4+$0xFFFFFFE0];
	v42 =	vadd.s32 v31, v9  }
0x84: {  	v13 =	vshll.u32 v13, v17;
	v10 =	vbroadcast v10, $0x0;
	[tilespmem:v46+s15+$0x0] =	vst.idx.msk $0xffff, v43;
	v43 =	vld [tilespmem:s4+$0x0];
	v46 =	vadd.s32 v14, v40  }
0x85: {  	v49 =	vadd.s32 v19, v0;
	v34 =	vbroadcast v13, $0x0;
	v13 =	vshll.u32 v35, v17;
	v48 =	vld [tilespmem:s4+$0x20];
	[tilespmem:v1+s15+$0x0] =	vst.idx.msk $0xffff, v38  }
0x86: {  	v35 =	vbroadcast v13, $0x0;
	[tilespmem:v12+s15+$0x0] =	vst.idx.msk $0xffff, v11;
	v1 =	vld [tilespmem:s4+$0x40];
	v11 =	vadd.s32 v21, v10;
	v12 =	vshll.u32 v37, v17  }
0x87: {  	[tilespmem:v16+s15+$0x0] =	vst.idx.msk $0xffff, v15;
	v13 =	vld [tilespmem:s4+$0x60];
	v15 =	vadd.s32 v23, v34;
	v36 =	vbroadcast v12, $0x0;
	v12 =	vshll.u32 v39, v17  }
0x88: {  	s8 =	sadd.s32 $0x1, s6;
	v16 =	vmov s6;
	v39 =	vadd.s32 v25, v35;
	[tilespmem:v42+s15+$0x0] =	vst.idx.msk $0xffff, v41;
	v38 =	vld [tilespmem:s4+$0x80];
	v37 =	vbroadcast v12, $0x0  }
0x89: {  	s12 =	sadd.s32 $0x3, s6;
	v12 =	vshrl.u32 v16, $0x3;
	v16 =	vmov s8;
	s8 =	sadd.s32 $0x2, s6;
	[tilespmem:v46+s15+$0x0] =	vst.idx.msk $0xffff, v43;
	v41 =	vld [tilespmem:s4+$0xA0];
	v42 =	vadd.s32 v27, v36  }
0x8a: {  	v55 =	vmov s12;
	s12 =	sadd.s32 $0x5, s6;
	v43 =	vmov s8;
	s8 =	sadd.s32 $0x4, s6;
	[tilespmem:v49+s15+$0x0] =	vst.idx.msk $0xffff, v48;
	v49 =	vld [tilespmem:s4+$0xC0];
	v53 =	vadd.s32 v29, v37  }
0x8b: {  	v58 =	vadd.s32 v20, v47;
	v57 =	vmov s12;
	s12 =	sadd.s32 $0x7, s6;
	v56 =	vmov s8;
	s8 =	sadd.s32 $0x6, s6;
	v54 =	vld [tilespmem:s4+$0xFFFFFF30];
	[tilespmem:v11+s15+$0x0] =	vst.idx.msk $0xffff, v1  }
0x8c: {  	v60 =	vadd.s32 v22, v51;
	v1 =	vmov s8;
	v11 =	vmov s12;
	s8 =	sadd.s32 $0x8, s6;
	s12 =	sadd.s32 $0x9, s6;
	v59 =	vld [tilespmem:s4+$0xFFFFFF50];
	[tilespmem:v15+s15+$0x0] =	vst.idx.msk $0xffff, v13  }
0x8d: {  	v61 =	vadd.s32 v24, v45;
	v13 =	vmov s8;
	v50 =	vmov s12;
	s8 =	sadd.s32 $0xA, s6;
	s12 =	sadd.s32 $0xB, s6;
	v15 =	vld [tilespmem:s4+$0xFFFFFF70];
	[tilespmem:v39+s15+$0x0] =	vst.idx.msk $0xffff, v38  }
0x8e: {  	v63 =	vadd.s32 v26, v44;
	v51 =	vmov s8;
	v46 =	vmov s12;
	s8 =	sadd.s32 $0xC, s6;
	s12 =	sadd.s32 $0xD, s6;
	v62 =	vld [tilespmem:s4+$0xFFFFFF90];
	[tilespmem:v42+s15+$0x0] =	vst.idx.msk $0xffff, v41  }
0x8f: {  	v3 =	vadd.s32 v28, v52;
	v48 =	vmov s8;
	v38 =	vmov s12;
	s8 =	sadd.s32 $0xE, s6;
	v2 =	vld [tilespmem:s4+$0xFFFFFFB0];
	[tilespmem:v53+s15+$0x0] =	vst.idx.msk $0xffff, v49  }
.Ltmp4:
0x90: {  	v47 =	vshll.u32 v12, v17;
	v39 =	vmov s8;
	[tilespmem:v58+s15+$0x0] =	vst.idx.msk $0xffff, v54;
	v53 =	vld [tilespmem:s4+$0xFFFFFFD0];
	v58 =	vadd.s32 v30, v8;
	(pc) =	sbr.rel @p1 .LBB2_4-.Ltmp4, $4  }
0x91: {  	v52 =	vshrl.u32 v16, $0x3;
	v49 =	vshrl.u32 v43, $0x3;
	[tilespmem:v60+s15+$0x0] =	vst.idx.msk $0xffff, v59;
	v54 =	vld [tilespmem:s4+$0xFFFFFFF0];
	v59 =	vadd.s32 v32, v9  }
0x92: {  	v45 =	vshrl.u32 v55, $0x3;
	v44 =	vshrl.u32 v56, $0x3;
	v60 =	vadd.s32 v18, v40;
	[tilespmem:v61+s15+$0x0] =	vst.idx.msk $0xffff, v15;
	v55 =	vld [tilespmem:s4+$0x10]  }
0x93: {  	v41 =	vshrl.u32 v1, $0x3;
	v43 =	vshrl.u32 v57, $0x3;
	v61 =	vadd.s32 v20, v0;
	[tilespmem:v63+s15+$0x0] =	vst.idx.msk $0xffff, v62;
	v56 =	vld [tilespmem:s4+$0x30]  }
0x94: {  	v42 =	vshrl.u32 v11, $0x3;
	s8 =	sadd.s32 $0xF, s6;
	s6 =	sadd.s32 $0x10, s6;
	v40 =	vshrl.u32 v13, $0x3;
	v62 =	vadd.s32 v22, v10;
	[tilespmem:v3+s15+$0x0] =	vst.idx.msk $0xffff, v2;
	v57 =	vld [tilespmem:s4+$0x50]  }
0x95: {  	_ =	sdelay $0x2  }
0x96: {  	v0 =	vshrl.u32 v50, $0x3  }
0x97: {  	v1 =	vmov s8;
	[tilespmem:v58+s15+$0x0] =	vst.idx.msk $0xffff, v53;
	v2 =	vld [tilespmem:s4+$0x70];
	v3 =	vadd.s32 v24, v34;
	v8 =	vshrl.u32 v51, $0x3  }
0x98: {  	v9 =	vld [tilespmem:s4+$0x90];
	v10 =	vadd.s32 v26, v35;
	v11 =	vshrl.u32 v46, $0x3;
	v13 =	vadd.s32 v28, v36;
	[tilespmem:v59+s15+$0x0] =	vst.idx.msk $0xffff, v54  }
0x99: {  	v12 =	vld [tilespmem:s4+$0xB0];
	v15 =	vshrl.u32 v48, $0x3;
	v58 =	vshll.u32 v52, v17;
	v33 =	vadd.s32 v18, v33;
	[tilespmem:v60+s15+$0x0] =	vst.idx.msk $0xffff, v55  }
0x9a: {  	v44 =	vshll.u32 v44, v17;
	v1 =	vshrl.u32 v1, $0x3;
	v59 =	vld [tilespmem:s4+$0xFFFFFF10];
	v36 =	vbroadcast v58, $0x0;
	[tilespmem:v61+s15+$0x0] =	vst.idx.msk $0xffff, v56  }
0x9b: {  	v16 =	vld [tilespmem:s4+$0xD0];
	s12 =	sadd.s32 $0x200, s4;
	v44 =	vbroadcast v44, $0x0;
	v1 =	vshll.u32 v1, v17;
	v56 =	vadd.s32 v30, v37;
	[tilespmem:v62+s15+$0x0] =	vst.idx.msk $0xffff, v57  }
0x9c: {  	v60 =	vshll.u32 v49, v17;
	v49 =	vld [tilespmem:s12+$0xFFFFFF20];
	v1 =	vbroadcast v1, $0x0;
	v50 =	vadd.s32 v19, v36;
	[tilespmem:v3+s15+$0x0] =	vst.idx.msk $0xffff, v2  }
0x9d: {  	v45 =	vshll.u32 v45, v17;
	v52 =	vld [tilespmem:s12+$0xFFFFFF80];
	v46 =	vbroadcast v60, $0x0;
	v53 =	vadd.s32 v25, v44;
	[tilespmem:v10+s15+$0x0] =	vst.idx.msk $0xffff, v9  }
0x9e: {  	v34 =	vbroadcast v47, $0x0;
	v40 =	vshll.u32 v40, v17;
	v61 =	vld [tilespmem:s12+$0xE0];
	v62 =	vadd.s32 v31, v1;
	[tilespmem:v13+s15+$0x0] =	vst.idx.msk $0xffff, v12  }
0x9f: {  	v38 =	vshrl.u32 v38, $0x3;
	v40 =	vbroadcast v40, $0x0;
	v12 =	vld [tilespmem:s12+$0xFFFFFF40];
	v13 =	vadd.s32 v21, v46;
	[tilespmem:v33+s15+$0x0] =	vst.idx.msk $0xffff, v59  }
0xa0: {  	v43 =	vshll.u32 v43, v17;
	v63 =	vld [tilespmem:s12+$0xFFFFFF00];
	v45 =	vbroadcast v45, $0x0;
	v3 =	vadd.s32 v14, v34;
	[tilespmem:v56+s15+$0x0] =	vst.idx.msk $0xffff, v16  }
0xa1: {  	v41 =	vshll.u32 v41, v17;
	v43 =	vbroadcast v43, $0x0;
	v58 =	vld [tilespmem:s12+$0x0];
	v59 =	vadd.s32 v14, v40;
	[tilespmem:v50+s15+$0x0] =	vst.idx.msk $0xffff, v49  }
0xa2: {  	v0 =	vshll.u32 v0, v17;
	v51 =	vadd.s32 v23, v45;
	v2 =	vbroadcast v41, $0x0;
	v16 =	vld [tilespmem:s12+$0xFFFFFF60];
	[tilespmem:v53+s15+$0x0] =	vst.idx.msk $0xffff, v52  }
0xa3: {  	v8 =	vshll.u32 v8, v17;
	v55 =	vld [tilespmem:s12+$0xFFFFFFA0];
	v0 =	vbroadcast v0, $0x0;
	v56 =	vadd.s32 v27, v43;
	[tilespmem:v62+s15+$0x0] =	vst.idx.msk $0xffff, v61  }
0xa4: {  	v15 =	vshll.u32 v15, v17;
	v8 =	vbroadcast v8, $0x0;
	[tilespmem:v13+s15+$0x0] =	vst.idx.msk $0xffff, v12;
	v12 =	vld [tilespmem:s12+$0xFFFFFFC0];
	v13 =	vadd.s32 v29, v2  }
0xa5: {  	v48 =	vbroadcast v15, $0x0;
	v60 =	vld [tilespmem:s12+$0x20];
	[tilespmem:v3+s15+$0x0] =	vst.idx.msk $0xffff, v63;
	v3 =	vshll.u32 v42, v17;
	v61 =	vadd.s32 v19, v0  }
0xa6: {  	v15 =	vshll.u32 v38, v17;
	v62 =	vld [tilespmem:s12+$0x40];
	v63 =	vadd.s32 v21, v8;
	v3 =	vbroadcast v3, $0x0;
	[tilespmem:v59+s15+$0x0] =	vst.idx.msk $0xffff, v58  }
0xa7: {  	v15 =	vbroadcast v15, $0x0;
	v1 =	vadd.s32 v32, v1;
	v54 =	vld [tilespmem:s12+$0xF0];
	[tilespmem:v51+s15+$0x0] =	vst.idx.msk $0xffff, v16  }
0xa8: {  	v11 =	vshll.u32 v11, v17;
	v16 =	vld [tilespmem:s12+$0xFFFFFFE0];
	v57 =	vadd.s32 v31, v3;
	[tilespmem:v56+s15+$0x0] =	vst.idx.msk $0xffff, v55  }
0xa9: {  	v39 =	vshrl.u32 v39, $0x3;
	v11 =	vbroadcast v11, $0x0;
	v52 =	vadd.s32 v27, v15;
	v51 =	vld [tilespmem:s12+$0xA0];
	[tilespmem:v13+s15+$0x0] =	vst.idx.msk $0xffff, v12  }
0xaa: {  	v36 =	vadd.s32 v20, v36;
	v49 =	vshll.u32 v39, v17;
	v55 =	vld [tilespmem:s12+$0xFFFFFF30];
	[tilespmem:v61+s15+$0x0] =	vst.idx.msk $0xffff, v60  }
0xab: {  	v38 =	vbroadcast v49, $0x0;
	v12 =	vld [tilespmem:s12+$0x60];
	v13 =	vadd.s32 v23, v11;
	[tilespmem:v63+s15+$0x0] =	vst.idx.msk $0xffff, v62  }
0xac: {  	v59 =	vld [tilespmem:s12+$0xFFFFFFB0];
	v60 =	vadd.s32 v28, v43;
	[tilespmem:v1+s15+$0x0] =	vst.idx.msk $0xffff, v54  }
0xad: {  	v53 =	vld [tilespmem:s12+$0xC0];
	v54 =	vadd.s32 v29, v38;
	[tilespmem:v57+s15+$0x0] =	vst.idx.msk $0xffff, v16  }
0xae: {  	v2 =	vadd.s32 v30, v2;
	v61 =	vld [tilespmem:s12+$0xFFFFFFD0];
	[tilespmem:v52+s15+$0x0] =	vst.idx.msk $0xffff, v51  }
0xaf: {  	v50 =	vadd.s32 v25, v48;
	v16 =	vld [tilespmem:s12+$0x80];
	[tilespmem:v36+s15+$0x0] =	vst.idx.msk $0xffff, v55  }
0xb0: {  	[tilespmem:v13+s15+$0x0] =	vst.idx.msk $0xffff, v12;
	v12 =	vld [tilespmem:s12+$0xFFFFFF70];
	v13 =	vadd.s32 v24, v45  }
0xb1: {  	v56 =	vld [tilespmem:s12+$0xFFFFFF50];
	v57 =	vadd.s32 v22, v46;
	[tilespmem:v60+s15+$0x0] =	vst.idx.msk $0xffff, v59  }
0xb2: {  	v3 =	vadd.s32 v32, v3;
	v62 =	vld [tilespmem:s12+$0xFFFFFFF0];
	[tilespmem:v54+s15+$0x0] =	vst.idx.msk $0xffff, v53  }
0xb3: {  	v11 =	vadd.s32 v24, v11;
	[tilespmem:v2+s15+$0x0] =	vst.idx.msk $0xffff, v61;
	v36 =	vld [tilespmem:s12+$0x70]  }
0xb4: {  	v58 =	vadd.s32 v26, v44;
	[tilespmem:v50+s15+$0x0] =	vst.idx.msk $0xffff, v16;
	v16 =	vld [tilespmem:s12+$0xFFFFFF90]  }
0xb5: {  	v63 =	vld [tilespmem:s12+$0x10];
	[tilespmem:v13+s15+$0x0] =	vst.idx.msk $0xffff, v12;
	v12 =	vadd.s32 v18, v40  }
0xb6: {  	v0 =	vadd.s32 v20, v0;
	[tilespmem:v57+s15+$0x0] =	vst.idx.msk $0xffff, v56;
	v13 =	vld [tilespmem:s12+$0x30]  }
0xb7: {  	[tilespmem:v3+s15+$0x0] =	vst.idx.msk $0xffff, v62;
	v37 =	vld [tilespmem:s12+$0x90];
	v3 =	vadd.s32 v26, v48  }
0xb8: {  	v39 =	vld [tilespmem:s12+$0xB0];
	v40 =	vadd.s32 v28, v15;
	[tilespmem:v11+s15+$0x0] =	vst.idx.msk $0xffff, v36  }
0xb9: {  	v8 =	vadd.s32 v22, v8;
	[tilespmem:v58+s15+$0x0] =	vst.idx.msk $0xffff, v16;
	v16 =	vld [tilespmem:s12+$0x50]  }
0xba: {  	v41 =	vld [tilespmem:s12+$0xD0];
	[tilespmem:v12+s15+$0x0] =	vst.idx.msk $0xffff, v63;
	v12 =	vadd.s32 v30, v38  }
0xbb: {  	v15 =	vadd.s32 v18, v34;
	[tilespmem:v0+s15+$0x0] =	vst.idx.msk $0xffff, v13;
	v13 =	vld [tilespmem:s12+$0xFFFFFF10]  }
0xbc: {  	[tilespmem:v3+s15+$0x0] =	vst.idx.msk $0xffff, v37  }
0xbd: {  	[tilespmem:v40+s15+$0x0] =	vst.idx.msk $0xffff, v39  }
0xbe: {  	s13 =	sshll.u32 s10, $0x11;
	[tilespmem:v8+s15+$0x0] =	vst.idx.msk $0xffff, v16  }
0xbf: {  	s4 =	sadd.s32 s7, s13;
	[tilespmem:v12+s15+$0x0] =	vst.idx.msk $0xffff, v41  }
0xc0: {  	s6 =	sadd.s32 s1, s4;
	[tilespmem:v15+s15+$0x0] =	vst.idx.msk $0xffff, v13  }
0xc1: {  	[hbm4b:s6+s2] =	stream.linear.scatter [tilespmem:s15], [sflag:$0x3], $0x80, $0x38;
	[tilespmem:$0x5F00] =	vst v63  }
0xc2: {  	s16 =	sadd.s32 $0x10, s6;
	s12 =	simm.s32 $0x3D88  }
0xc3: {  	[hbm4b:s16+s2] =	stream.linear.scatter [tilespmem:s12], [sflag:$0x3], $0x80, $0x38;
	[tilespmem:$0x5F00] =	vst v63  }
0xc4: {  	s13 =	sadd.s32 $0x20, s6;
	s16 =	simm.s32 $0x3E10  }
0xc5: {  	[hbm4b:s13+s2] =	stream.linear.scatter [tilespmem:s16], [sflag:$0x3], $0x80, $0x38;
	[tilespmem:$0x5F00] =	vst v63  }
0xc6: {  	s13 =	sadd.s32 $0x30, s6;
	s16 =	simm.s32 $0x3E98  }
0xc7: {  	[hbm4b:s13+s2] =	stream.linear.scatter [tilespmem:s16], [sflag:$0x3], $0x80, $0x38;
	[tilespmem:$0x5F00] =	vst v63  }
0xc8: {  	s13 =	sadd.s32 $0x40, s6;
	s16 =	simm.s32 $0x3F20  }
0xc9: {  	[hbm4b:s13+s2] =	stream.linear.scatter [tilespmem:s16], [sflag:$0x3], $0x80, $0x38;
	[tilespmem:$0x5F00] =	vst v63  }
0xca: {  	s13 =	sadd.s32 $0x50, s6;
	s16 =	simm.s32 $0x3FA8  }
0xcb: {  	[hbm4b:s13+s2] =	stream.linear.scatter [tilespmem:s16], [sflag:$0x3], $0x80, $0x38;
	[tilespmem:$0x5F00] =	vst v63  }
0xcc: {  	s13 =	sadd.s32 $0x60, s6;
	s16 =	simm.s32 $0x4030  }
0xcd: {  	[hbm4b:s13+s2] =	stream.linear.scatter [tilespmem:s16], [sflag:$0x3], $0x80, $0x38;
	[tilespmem:$0x5F00] =	vst v63  }
0xce: {  	s13 =	sadd.s32 $0x70, s6;
	s16 =	simm.s32 $0x40B8  }
0xcf: {  	[hbm4b:s13+s2] =	stream.linear.scatter [tilespmem:s16], [sflag:$0x3], $0x80, $0x38;
	[tilespmem:$0x5F00] =	vst v63  }
0xd0: {  	s13 =	sadd.s32 $0x4000, s6;
	s16 =	simm.s32 $0x4140  }
0xd1: {  	[hbm4b:s13+s2] =	stream.linear.scatter [tilespmem:s16], [sflag:$0x3], $0x80, $0x38;
	[tilespmem:$0x5F00] =	vst v63  }
0xd2: {  	s13 =	sadd.s32 $0x4010, s6;
	s16 =	simm.s32 $0x41C8  }
0xd3: {  	[hbm4b:s13+s2] =	stream.linear.scatter [tilespmem:s16], [sflag:$0x3], $0x80, $0x38;
	[tilespmem:$0x5F00] =	vst v63  }
0xd4: {  	s13 =	sadd.s32 $0x4020, s6;
	s16 =	simm.s32 $0x4250  }
0xd5: {  	[hbm4b:s13+s2] =	stream.linear.scatter [tilespmem:s16], [sflag:$0x3], $0x80, $0x38;
	[tilespmem:$0x5F00] =	vst v63  }
0xd6: {  	s13 =	sadd.s32 $0x4030, s6;
	s16 =	simm.s32 $0x42D8  }
0xd7: {  	[hbm4b:s13+s2] =	stream.linear.scatter [tilespmem:s16], [sflag:$0x3], $0x80, $0x38;
	[tilespmem:$0x5F00] =	vst v63  }
0xd8: {  	s13 =	sadd.s32 $0x4040, s6;
	s16 =	simm.s32 $0x4360  }
0xd9: {  	[hbm4b:s13+s2] =	stream.linear.scatter [tilespmem:s16], [sflag:$0x3], $0x80, $0x38;
	[tilespmem:$0x5F00] =	vst v63  }
0xda: {  	s13 =	sadd.s32 $0x4050, s6;
	s16 =	simm.s32 $0x43E8  }
0xdb: {  	[hbm4b:s13+s2] =	stream.linear.scatter [tilespmem:s16], [sflag:$0x3], $0x80, $0x38;
	[tilespmem:$0x5F00] =	vst v63  }
0xdc: {  	s13 =	sadd.s32 $0x4060, s6;
	s16 =	simm.s32 $0x4470  }
0xdd: {  	[hbm4b:s13+s2] =	stream.linear.scatter [tilespmem:s16], [sflag:$0x3], $0x80, $0x38;
	[tilespmem:$0x5F00] =	vst v63  }
0xde: {  	s13 =	sadd.s32 $0x4070, s6;
	s16 =	simm.s32 $0x44F8  }
0xdf: {  	[hbm4b:s13+s2] =	stream.linear.scatter [tilespmem:s16], [sflag:$0x3], $0x80, $0x38;
	[tilespmem:$0x5F00] =	vst v63  }
0xe0: {  	s13 =	sadd.s32 $0x8000, s6;
	s16 =	simm.s32 $0x4580  }
0xe1: {  	[hbm4b:s13+s2] =	stream.linear.scatter [tilespmem:s16], [sflag:$0x3], $0x80, $0x38;
	[tilespmem:$0x5F00] =	vst v63  }
0xe2: {  	s13 =	sadd.s32 $0x8010, s6;
	s16 =	simm.s32 $0x4608  }
0xe3: {  	[hbm4b:s13+s2] =	stream.linear.scatter [tilespmem:s16], [sflag:$0x3], $0x80, $0x38;
	[tilespmem:$0x5F00] =	vst v63  }
0xe4: {  	s13 =	sadd.s32 $0x8020, s6;
	s16 =	simm.s32 $0x4690  }
0xe5: {  	[hbm4b:s13+s2] =	stream.linear.scatter [tilespmem:s16], [sflag:$0x3], $0x80, $0x38;
	[tilespmem:$0x5F00] =	vst v63  }
0xe6: {  	s13 =	sadd.s32 $0x8030, s6;
	s16 =	simm.s32 $0x4718  }
0xe7: {  	[hbm4b:s13+s2] =	stream.linear.scatter [tilespmem:s16], [sflag:$0x3], $0x80, $0x38;
	[tilespmem:$0x5F00] =	vst v63  }
0xe8: {  	s13 =	sadd.s32 $0x8040, s6;
	s16 =	simm.s32 $0x47A0  }
0xe9: {  	[hbm4b:s13+s2] =	stream.linear.scatter [tilespmem:s16], [sflag:$0x3], $0x80, $0x38;
	[tilespmem:$0x5F00] =	vst v63  }
0xea: {  	s13 =	sadd.s32 $0x8050, s6;
	s16 =	simm.s32 $0x4828  }
0xeb: {  	[hbm4b:s13+s2] =	stream.linear.scatter [tilespmem:s16], [sflag:$0x3], $0x80, $0x38;
	[tilespmem:$0x5F00] =	vst v63  }
0xec: {  	s13 =	sadd.s32 $0x8060, s6;
	s16 =	simm.s32 $0x48B0  }
0xed: {  	[hbm4b:s13+s2] =	stream.linear.scatter [tilespmem:s16], [sflag:$0x3], $0x80, $0x38;
	[tilespmem:$0x5F00] =	vst v63  }
0xee: {  	s13 =	sadd.s32 $0x8070, s6;
	s16 =	simm.s32 $0x4938  }
0xef: {  	[hbm4b:s13+s2] =	stream.linear.scatter [tilespmem:s16], [sflag:$0x3], $0x80, $0x38;
	[tilespmem:$0x5F00] =	vst v63  }
0xf0: {  	s13 =	sadd.s32 $0xC000, s6;
	s16 =	simm.s32 $0x49C0  }
0xf1: {  	[hbm4b:s13+s2] =	stream.linear.scatter [tilespmem:s16], [sflag:$0x3], $0x80, $0x38;
	[tilespmem:$0x5F00] =	vst v63  }
0xf2: {  	s13 =	sadd.s32 $0xC010, s6;
	s16 =	simm.s32 $0x4A48  }
0xf3: {  	[hbm4b:s13+s2] =	stream.linear.scatter [tilespmem:s16], [sflag:$0x3], $0x80, $0x38;
	[tilespmem:$0x5F00] =	vst v63  }
0xf4: {  	s13 =	sadd.s32 $0xC020, s6;
	s16 =	simm.s32 $0x4AD0  }
0xf5: {  	[hbm4b:s13+s2] =	stream.linear.scatter [tilespmem:s16], [sflag:$0x3], $0x80, $0x38;
	[tilespmem:$0x5F00] =	vst v63  }
0xf6: {  	p1 =	seq.s32 s10, $0x18;
	s13 =	sadd.s32 $0xC030, s6;
	s16 =	simm.s32 $0x4B58  }
0xf7: {  	[hbm4b:s13+s2] =	stream.linear.scatter [tilespmem:s16], [sflag:$0x3], $0x80, $0x38;
	[tilespmem:$0x5F00] =	vst v63  }
0xf8: {  	s8 =	sadd.s32 @!p1 $0x2, s11;
	s13 =	sadd.s32 $0xC040, s6;
	s16 =	simm.s32 $0x4BE0  }
0xf9: {  	v0 =	vlaneseq.u32 @!p1;
	[hbm4b:s13+s2] =	stream.linear.scatter [tilespmem:s16], [sflag:$0x3], $0x80, $0x38;
	[tilespmem:$0x5F00] =	vst v63  }
0xfa: {  	v1 =	vmov @!p1 s8;
	v0 =	vmul.u32 @!p1 $0x38, v0;
	s13 =	sadd.s32 $0xC050, s6;
	s16 =	simm.s32 $0x4C68  }
0xfb: {  	v1 =	vand.u32 @!p1 $0x7E, v1;
	[hbm4b:s13+s2] =	stream.linear.scatter [tilespmem:s16], [sflag:$0x3], $0x80, $0x38;
	[tilespmem:$0x5F00] =	vst v63  }
0xfc: {  	v2 =	vadd.s32 @!p1 v0, v1;
	v3 =	vadd.s32 @!p1 $0x380, v0;
	s13 =	sadd.s32 $0xC060, s6;
	s16 =	simm.s32 $0x4CF0  }
0xfd: {  	v8 =	vadd.s32 @!p1 $0x700, v0;
	v3 =	vadd.s32 @!p1 v3, v1;
	[hbm4b:s13+s2] =	stream.linear.scatter [tilespmem:s16], [sflag:$0x3], $0x80, $0x38;
	[tilespmem:$0x5F00] =	vst v63  }
0xfe: {  	v9 =	vadd.s32 @!p1 $0xA80, v0;
	v8 =	vadd.s32 @!p1 v8, v1;
	s12 =	simm.s32 $0x4D78;
	s6 =	sadd.s32 $0xC070, s6  }
0xff: {  	v10 =	vadd.s32 @!p1 $0xE00, v0;
	v11 =	vadd.s32 @!p1 $0x1180, v0;
	v9 =	vadd.s32 @!p1 v9, v1;
	[hbm4b:s6+s2] =	stream.linear.scatter [tilespmem:s12], [sflag:$0x3], $0x80, $0x38;
	[tilespmem:$0x5F00] =	vst v63  }
0x100: {  	v10 =	vadd.s32 @!p1 v10, v1;
	v12 =	vadd.s32 @!p1 $0x1500, v0;
	v0 =	vadd.s32 @!p1 $0x1880, v0;
	s6 =	simm.s32 @!p1 $0x0  }
0x101: {  	v0 =	vadd.s32 @!p1 v0, v1;
	v2 =	vld.idx.msk @!p1 [tilespmem:v2+s6+$0x0], $0xffff  }
0x102: {  	v11 =	vadd.s32 @!p1 v11, v1;
	v3 =	vld.idx.msk @!p1 [tilespmem:v3+s6+$0x0], $0xffff  }
0x103: {  	v12 =	vadd.s32 @!p1 v12, v1;
	v8 =	vld.idx.msk @!p1 [tilespmem:v8+s6+$0x0], $0xffff  }
0x104: {  	v1 =	vld.idx.msk @!p1 [tilespmem:v9+s6+$0x0], $0xffff  }
0x105: {  	v9 =	vld.idx.msk @!p1 [tilespmem:v10+s6+$0x0], $0xffff  }
0x106: {  	v0 =	vld.idx.msk @!p1 [tilespmem:v0+s6+$0x0], $0xffff;
	[tilespmem:$0x1C00] =	vst @!p1 v2  }
0x107: {  	s12 =	simm.s32 $0x2;
	v2 =	vld.idx.msk @!p1 [tilespmem:v11+s6+$0x0], $0xffff;
	[tilespmem:$0x1C10] =	vst @!p1 v3  }
0x108: {  	s13 =	simm.s32 $0x0;
	v43 =	vmov s12;
	s12 =	simm.s32 $0x5;
	v3 =	vld.idx.msk @!p1 [tilespmem:v12+s6+$0x0], $0xffff;
	[tilespmem:$0x1C20] =	vst @!p1 v8  }
0x109: {  	v42 =	vmov s13;
	s13 =	simm.s32 $0x4;
	v46 =	vmov s12;
	s12 =	simm.s32 $0x9;
	[tilespmem:$0x1C30] =	vst @!p1 v1  }
0x10a: {  	s16 =	simm.s32 $0x1;
	v45 =	vmov s13;
	v15 =	vmov s12;
	s12 =	simm.s32 $0xC;
	[tilespmem:$0x1C40] =	vst @!p1 v9  }
0x10b: {  	s13 =	simm.s32 $0x6;
	v47 =	vshrl.u32 v42, $0x3;
	v49 =	vmov s12;
	v8 =	vmov s16;
	s16 =	simm.s32 $0x3;
	[tilespmem:$0x1C70] =	vst @!p1 v0  }
0x10c: {  	s12 =	simm.s32 $0xE;
	v15 =	vshrl.u32 v15, $0x3;
	v12 =	vmov s13;
	s13 =	simm.s32 $0xA;
	v44 =	vmov s16;
	s16 =	simm.s32 $0x7;
	[tilespmem:$0x1C50] =	vst @!p1 v2  }
0x10d: {  	v51 =	vmov s12;
	s6 =	simm.s32 @!p1 $0x80;
	v16 =	vmov s13;
	s13 =	simm.s32 @!p1 $0x1D00;
	v13 =	vmov s16;
	s16 =	simm.s32 @!p1 $0x1C00;
	[tilespmem:$0x1C60] =	vst @!p1 v3  }
0x10e: {  	v37 =	vshrl.u32 v49, $0x3;
	v15 =	vshll.u32 v15, v17;
	v0 =	vshll.u32 v47, v17;
	[tilespmem:s13], [sflag:$0x1] =	stream.indirect.gather @!p1 [hbm4b:s5+s6], $0x20, s16, s6, $0xb8;
	[tilespmem:$0x5F00] =	vst v63  }
0x10f: {  	v9 =	vshrl.u32 v43, $0x3;
	v11 =	vshrl.u32 v45, $0x3;
	v47 =	vshrl.u32 v51, $0x3;
	s13 =	simm.s32 $0xF;
	_ =	swait.ge [sflag:s22], $0x1000  }
0x110: {  	v8 =	vshrl.u32 v8, $0x3;
	v12 =	vshrl.u32 v12, $0x3;
	v59 =	vmov s13;
	[sflag:s22] =	ssyncset.done $0x0  }
0x111: {  	v33 =	vbroadcast v0, $0x0;
	v11 =	vshll.u32 v11, v17;
	s6 =	simm.s32 @!p0 $0x4;
	v36 =	vshrl.u32 v59, $0x3;
	[sflag:s22] =	ssyncadd.s32 $0xFFFFF000  }
0x112: {  	v10 =	vshrl.u32 v44, $0x3;
	v16 =	vshrl.u32 v16, $0x3;
	v36 =	vshll.u32 v36, v17;
	_ =	swait.ge @!p0 [sflag:s6], $0x1000  }
0x113: {  	v60 =	vshll.u32 v8, v17;
	v8 =	vshll.u32 v9, v17;
	v36 =	vbroadcast v36, $0x0;
	[sflag:s6] =	ssyncset.done @!p0 $0x0  }
0x114: {  	s8 =	simm.s32 $0x8;
	v11 =	vbroadcast v11, $0x0;
	v12 =	vshll.u32 v12, v17;
	v0 =	vbroadcast v60, $0x0;
	[sflag:s6] =	ssyncadd.s32 @!p0 $0xFFFFF000;
	s6 =	simm.s32 $0x2EF0  }
0x115: {  	v52 =	vadd.s32 v14, v33;
	v3 =	vmov s8;
	s8 =	simm.s32 $0xB;
	v62 =	vadd.s32 v31, v36;
	v61 =	vld [tilespmem:s6+$0xFFFFFFF0]  }
0x116: {  	v8 =	vbroadcast v8, $0x0;
	v10 =	vshll.u32 v10, v17;
	v48 =	vmov s8;
	v63 =	vld [tilespmem:s6+$0xFFFFFE10]  }
0x117: {  	v10 =	vbroadcast v10, $0x0;
	v54 =	vadd.s32 v19, v0;
	v1 =	vshrl.u32 v48, $0x3;
	v53 =	vld [tilespmem:s6+$0xFFFFFE30]  }
0x118: {  	v2 =	vshrl.u32 v46, $0x3;
	v56 =	vadd.s32 v21, v8;
	v1 =	vshll.u32 v1, v17;
	v55 =	vld [tilespmem:s6+$0xFFFFFE50]  }
0x119: {  	v58 =	vadd.s32 v23, v10;
	v2 =	vshll.u32 v2, v17;
	v34 =	vbroadcast v1, $0x0;
	v57 =	vld [tilespmem:s6+$0xFFFFFE70]  }
0x11a: {  	v13 =	vshrl.u32 v13, $0x3;
	v60 =	vadd.s32 v25, v11;
	v2 =	vbroadcast v2, $0x0;
	v59 =	vld [tilespmem:s6+$0xFFFFFE90];
	[tilespmem:v62+s23+$0x0] =	vst.idx.msk $0xffff, v61  }
0x11b: {  	v9 =	vbroadcast v12, $0x0;
	v16 =	vshll.u32 v16, v17;
	v40 =	vadd.s32 v23, v34;
	v39 =	vld [tilespmem:s6+$0xFFFFFF70];
	[tilespmem:v52+s23+$0x0] =	vst.idx.msk $0xffff, v63  }
0x11c: {  	v12 =	vshll.u32 v13, v17;
	v3 =	vshrl.u32 v3, $0x3;
	[tilespmem:v54+s23+$0x0] =	vst.idx.msk $0xffff, v53;
	v61 =	vld [tilespmem:s6+$0xFFFFFEB0];
	v62 =	vadd.s32 v27, v2  }
0x11d: {  	v12 =	vbroadcast v12, $0x0;
	v3 =	vshll.u32 v3, v17;
	[tilespmem:v56+s23+$0x0] =	vst.idx.msk $0xffff, v55;
	v63 =	vld [tilespmem:s6+$0xFFFFFED0];
	v52 =	vadd.s32 v29, v9  }
0x11e: {  	v11 =	vadd.s32 v26, v11;
	v3 =	vbroadcast v3, $0x0;
	v36 =	vadd.s32 v32, v36;
	[tilespmem:v58+s23+$0x0] =	vst.idx.msk $0xffff, v57;
	v13 =	vld [tilespmem:s6+$0x0]  }
0x11f: {  	v15 =	vbroadcast v15, $0x0;
	v0 =	vadd.s32 v20, v0;
	v53 =	vld [tilespmem:s6+$0xFFFFFEF0];
	v54 =	vadd.s32 v31, v12;
	[tilespmem:v60+s23+$0x0] =	vst.idx.msk $0xffff, v59  }
0x120: {  	v16 =	vbroadcast v16, $0x0;
	v8 =	vadd.s32 v22, v8;
	s8 =	simm.s32 $0xD;
	v55 =	vld [tilespmem:s6+$0xFFFFFF10];
	v56 =	vadd.s32 v14, v3;
	[tilespmem:v40+s23+$0x0] =	vst.idx.msk $0xffff, v39  }
0x121: {  	v50 =	vmov s8;
	v57 =	vld [tilespmem:s6+$0xFFFFFF30];
	v58 =	vadd.s32 v19, v15;
	v59 =	vshll.u32 v37, v17;
	[tilespmem:v62+s23+$0x0] =	vst.idx.msk $0xffff, v61  }
0x122: {  	s12 =	simm.s32 $0x11;
	v10 =	vadd.s32 v24, v10;
	v45 =	vshrl.u32 v50, $0x3;
	v35 =	vbroadcast v59, $0x0;
	v59 =	vld [tilespmem:s6+$0xFFFFFE60];
	[tilespmem:v52+s23+$0x0] =	vst.idx.msk $0xffff, v63  }
0x123: {  	v41 =	vmov s12;
	v60 =	vadd.s32 v21, v16;
	v61 =	vshll.u32 v45, v17;
	[tilespmem:v36+s23+$0x0] =	vst.idx.msk $0xffff, v13;
	v13 =	vld [tilespmem:s6+$0xFFFFFF50]  }
0x124: {  	s12 =	simm.s32 $0x1C;
	s16 =	simm.s32 $0x10;
	v42 =	vld [tilespmem:s6+$0xFFFFFF90];
	v43 =	vadd.s32 v25, v35;
	v62 =	vshll.u32 v47, v17;
	[tilespmem:v54+s23+$0x0] =	vst.idx.msk $0xffff, v53;
	v36 =	vbroadcast v61, $0x0  }
0x125: {  	v48 =	vmov s12;
	v63 =	vmov s16;
	s16 =	simm.s32 $0x13;
	[tilespmem:v56+s23+$0x0] =	vst.idx.msk $0xffff, v55;
	v52 =	vld [tilespmem:s6+$0xFFFFFE40];
	v37 =	vbroadcast v62, $0x0  }
0x126: {  	s13 =	simm.s32 $0x12;
	v44 =	vld [tilespmem:s6+$0xFFFFFFB0];
	v2 =	vadd.s32 v28, v2;
	[tilespmem:v58+s23+$0x0] =	vst.idx.msk $0xffff, v57;
	v55 =	vmov s16;
	s16 =	simm.s32 $0x15;
	v45 =	vadd.s32 v27, v36  }
0x127: {  	v54 =	vmov s13;
	v47 =	vld [tilespmem:s6+$0xFFFFFFD0];
	[tilespmem:v8+s23+$0x0] =	vst.idx.msk $0xffff, v59;
	v57 =	vmov s16;
	s16 =	simm.s32 $0x17;
	v49 =	vadd.s32 v29, v37  }
0x128: {  	s13 =	simm.s32 $0x14;
	v58 =	vadd.s32 v30, v9;
	v1 =	vshrl.u32 v63, $0x3;
	v62 =	vmov s16;
	s16 =	simm.s32 $0x19;
	[tilespmem:v60+s23+$0x0] =	vst.idx.msk $0xffff, v13;
	v60 =	vld [tilespmem:s6+$0xFFFFFE80]  }
0x129: {  	v56 =	vmov s13;
	v59 =	vadd.s32 v32, v12;
	[tilespmem:v43+s23+$0x0] =	vst.idx.msk $0xffff, v42;
	v42 =	vld [tilespmem:s6+$0xFFFFFEA0];
	v50 =	vmov s16;
	s16 =	simm.s32 $0x1B  }
0x12a: {  	s13 =	simm.s32 $0x16;
	v63 =	vld [tilespmem:s6+$0xFFFFFEC0];
	v61 =	vadd.s32 v20, v15;
	v43 =	vshrl.u32 v57, $0x3;
	v46 =	vmov s16;
	s16 =	simm.s32 $0x1E;
	[tilespmem:v0+s23+$0x0] =	vst.idx.msk $0xffff, v52  }
0x12b: {  	v53 =	vld [tilespmem:s6+$0xFFFFFEE0];
	v52 =	vshrl.u32 v41, $0x3;
	v13 =	vmov s13;
	s13 =	simm.s32 $0x18;
	v39 =	vmov s16;
	[tilespmem:v45+s23+$0x0] =	vst.idx.msk $0xffff, v44  }
0x12c: {  	v40 =	vmov s13;
	s13 =	simm.s32 $0x1A;
	v41 =	vshrl.u32 v13, $0x3;
	[tilespmem:v49+s23+$0x0] =	vst.idx.msk $0xffff, v47;
	v49 =	vshrl.u32 v54, $0x3;
	v54 =	vld [tilespmem:s6+$0xFFFFFF00]  }
0x12d: {  	v51 =	vmov s13;
	v45 =	vshrl.u32 v55, $0x3;
	v55 =	vld [tilespmem:s6+$0xFFFFFF20];
	[tilespmem:v10+s23+$0x0] =	vst.idx.msk $0xffff, v60;
	v60 =	vadd.s32 v18, v3  }
0x12e: {  	s13 =	simm.s32 $0x1D;
	v47 =	vshll.u32 v1, v17;
	v44 =	vshrl.u32 v56, $0x3;
	[tilespmem:v11+s23+$0x0] =	vst.idx.msk $0xffff, v42;
	v56 =	vld [tilespmem:s6+$0xFFFFFF40];
	v42 =	vshrl.u32 v62, $0x3  }
0x12f: {  	s12 =	simm.s32 $0x1F;
	s8 =	simm.s32 $0x20;
	[tilespmem:v2+s23+$0x0] =	vst.idx.msk $0xffff, v63;
	v57 =	vld [tilespmem:s6+$0xFFFFFF60];
	v40 =	vshrl.u32 v40, $0x3;
	v62 =	vadd.s32 v22, v16;
	v38 =	vmov s13  }
.LBB2_6:
0x130: {  	p0 =	slt.u32 s8, $0x70;
	v0 =	vshrl.u32 v50, $0x3;
	v1 =	vmov s12;
	[tilespmem:v58+s23+$0x0] =	vst.idx.msk $0xffff, v53;
	v2 =	vld [tilespmem:s6+$0xFFFFFF80];
	v3 =	vadd.s32 v24, v34  }
0x131: {  	v8 =	vshrl.u32 v51, $0x3;
	v10 =	vadd.s32 v26, v35;
	v1 =	vshrl.u32 v1, $0x3;
	[tilespmem:v59+s23+$0x0] =	vst.idx.msk $0xffff, v54;
	v9 =	vld [tilespmem:s6+$0xFFFFFFA0]  }
0x132: {  	v11 =	vshrl.u32 v46, $0x3;
	v13 =	vadd.s32 v28, v36;
	v1 =	vshll.u32 v1, v17;
	[tilespmem:v60+s23+$0x0] =	vst.idx.msk $0xffff, v55;
	v12 =	vld [tilespmem:s6+$0xFFFFFFC0]  }
0x133: {  	v15 =	vshrl.u32 v48, $0x3;
	v34 =	vadd.s32 v30, v37;
	v1 =	vbroadcast v1, $0x0;
	[tilespmem:v61+s23+$0x0] =	vst.idx.msk $0xffff, v56;
	v16 =	vld [tilespmem:s6+$0xFFFFFFE0]  }
0x134: {  	v35 =	vshll.u32 v52, v17;
	v37 =	vadd.s32 v18, v33;
	v33 =	vbroadcast v47, $0x0;
	v36 =	vld [tilespmem:s6+$0xFFFFFE20];
	[tilespmem:v62+s23+$0x0] =	vst.idx.msk $0xffff, v57;
	s6 =	sadd.s32 $0x200, s6  }
0x135: {  	v46 =	vbroadcast v35, $0x0;
	v35 =	vshll.u32 v49, v17;
	v47 =	vld [tilespmem:s6+$0xFFFFFFF0];
	v48 =	vadd.s32 v31, v1;
	[tilespmem:v3+s23+$0x0] =	vst.idx.msk $0xffff, v2  }
0x136: {  	v49 =	vbroadcast v35, $0x0;
	v35 =	vshll.u32 v45, v17;
	v3 =	vadd.s32 v14, v33;
	v2 =	vld [tilespmem:s6+$0xFFFFFE10];
	[tilespmem:v10+s23+$0x0] =	vst.idx.msk $0xffff, v9  }
0x137: {  	v45 =	vbroadcast v35, $0x0;
	v35 =	vshll.u32 v44, v17;
	v10 =	vadd.s32 v19, v46;
	v9 =	vld [tilespmem:s6+$0xFFFFFE30];
	[tilespmem:v13+s23+$0x0] =	vst.idx.msk $0xffff, v12  }
0x138: {  	v38 =	vshrl.u32 v38, $0x3;
	v44 =	vbroadcast v35, $0x0;
	v13 =	vadd.s32 v21, v49;
	v12 =	vld [tilespmem:s6+$0xFFFFFE50];
	[tilespmem:v34+s23+$0x0] =	vst.idx.msk $0xffff, v16  }
0x139: {  	v39 =	vshrl.u32 v39, $0x3;
	v35 =	vshll.u32 v43, v17;
	v34 =	vadd.s32 v23, v45;
	v16 =	vld [tilespmem:s6+$0xFFFFFE70];
	[tilespmem:v37+s23+$0x0] =	vst.idx.msk $0xffff, v36  }
0x13a: {  	v43 =	vbroadcast v35, $0x0;
	v35 =	vshll.u32 v41, v17;
	v37 =	vadd.s32 v25, v44;
	v36 =	vld [tilespmem:s6+$0xFFFFFE90];
	[tilespmem:v48+s23+$0x0] =	vst.idx.msk $0xffff, v47  }
0x13b: {  	v1 =	vadd.s32 v32, v1;
	[tilespmem:v3+s23+$0x0] =	vst.idx.msk $0xffff, v2;
	v2 =	vbroadcast v35, $0x0;
	v3 =	vshll.u32 v42, v17;
	v35 =	vld [tilespmem:s6+$0x0]  }
0x13c: {  	v40 =	vshll.u32 v40, v17;
	[tilespmem:v10+s23+$0x0] =	vst.idx.msk $0xffff, v9;
	v9 =	vld [tilespmem:s6+$0xFFFFFEB0];
	v10 =	vadd.s32 v27, v43;
	v3 =	vbroadcast v3, $0x0  }
0x13d: {  	v40 =	vbroadcast v40, $0x0;
	v0 =	vshll.u32 v0, v17;
	[tilespmem:v13+s23+$0x0] =	vst.idx.msk $0xffff, v12;
	v12 =	vld [tilespmem:s6+$0xFFFFFED0];
	v13 =	vadd.s32 v29, v2  }
0x13e: {  	v8 =	vshll.u32 v8, v17;
	v0 =	vbroadcast v0, $0x0;
	[tilespmem:v34+s23+$0x0] =	vst.idx.msk $0xffff, v16;
	v16 =	vld [tilespmem:s6+$0xFFFFFEF0];
	v41 =	vadd.s32 v31, v3  }
0x13f: {  	v11 =	vshll.u32 v11, v17;
	v8 =	vbroadcast v8, $0x0;
	v47 =	vadd.s32 v14, v40;
	[tilespmem:v37+s23+$0x0] =	vst.idx.msk $0xffff, v36;
	v42 =	vld [tilespmem:s6+$0xFFFFFF10]  }
0x140: {  	v50 =	vadd.s32 v19, v0;
	v34 =	vbroadcast v11, $0x0;
	v11 =	vshll.u32 v15, v17;
	v48 =	vld [tilespmem:s6+$0xFFFFFF30];
	[tilespmem:v1+s23+$0x0] =	vst.idx.msk $0xffff, v35  }
0x141: {  	v35 =	vbroadcast v11, $0x0;
	[tilespmem:v10+s23+$0x0] =	vst.idx.msk $0xffff, v9;
	v1 =	vld [tilespmem:s6+$0xFFFFFF50];
	v9 =	vadd.s32 v21, v8;
	v10 =	vshll.u32 v38, v17  }
0x142: {  	[tilespmem:v13+s23+$0x0] =	vst.idx.msk $0xffff, v12;
	v11 =	vld [tilespmem:s6+$0xFFFFFF70];
	v12 =	vadd.s32 v23, v34;
	v36 =	vbroadcast v10, $0x0;
	v10 =	vshll.u32 v39, v17  }
0x143: {  	s12 =	sadd.s32 $0x1, s8;
	v13 =	vmov s8;
	[tilespmem:v41+s23+$0x0] =	vst.idx.msk $0xffff, v16;
	v15 =	vld [tilespmem:s6+$0xFFFFFF90];
	v16 =	vadd.s32 v25, v35;
	v37 =	vbroadcast v10, $0x0  }
0x144: {  	s13 =	sadd.s32 $0x3, s8;
	v10 =	vshrl.u32 v13, $0x3;
	v13 =	vmov s12;
	s12 =	sadd.s32 $0x2, s8;
	[tilespmem:v47+s23+$0x0] =	vst.idx.msk $0xffff, v42;
	v38 =	vld [tilespmem:s6+$0xFFFFFFB0];
	v39 =	vadd.s32 v27, v36  }
0x145: {  	v41 =	vmov s12;
	v42 =	vmov s13;
	s12 =	sadd.s32 $0x4, s8;
	s13 =	sadd.s32 $0x5, s8;
	[tilespmem:v50+s23+$0x0] =	vst.idx.msk $0xffff, v48;
	v47 =	vld [tilespmem:s6+$0xFFFFFFD0];
	v52 =	vadd.s32 v29, v37  }
0x146: {  	v54 =	vadd.s32 v20, v46;
	v55 =	vmov s12;
	v56 =	vmov s13;
	s12 =	sadd.s32 $0x6, s8;
	s13 =	sadd.s32 $0x7, s8;
	v53 =	vld [tilespmem:s6+$0xFFFFFE40];
	[tilespmem:v9+s23+$0x0] =	vst.idx.msk $0xffff, v1  }
0x147: {  	v59 =	vadd.s32 v22, v49;
	v1 =	vmov s12;
	v9 =	vmov s13;
	s12 =	sadd.s32 $0x8, s8;
	s13 =	sadd.s32 $0x9, s8;
	v57 =	vld [tilespmem:s6+$0xFFFFFE60];
	[tilespmem:v12+s23+$0x0] =	vst.idx.msk $0xffff, v11  }
0x148: {  	v60 =	vadd.s32 v24, v45;
	v11 =	vmov s12;
	v50 =	vmov s13;
	s12 =	sadd.s32 $0xA, s8;
	s13 =	sadd.s32 $0xB, s8;
	v12 =	vld [tilespmem:s6+$0xFFFFFE80];
	[tilespmem:v16+s23+$0x0] =	vst.idx.msk $0xffff, v15  }
0x149: {  	v51 =	vmov s12;
	v46 =	vmov s13;
	s12 =	sadd.s32 $0xC, s8;
	s13 =	sadd.s32 $0xD, s8;
	v16 =	vadd.s32 v26, v44;
	v15 =	vld [tilespmem:s6+$0xFFFFFEA0];
	[tilespmem:v39+s23+$0x0] =	vst.idx.msk $0xffff, v38  }
0x14a: {  	v63 =	vadd.s32 v28, v43;
	v48 =	vmov s12;
	v38 =	vmov s13;
	s12 =	sadd.s32 $0xE, s8;
	v62 =	vld [tilespmem:s6+$0xFFFFFEC0];
	[tilespmem:v52+s23+$0x0] =	vst.idx.msk $0xffff, v47  }
.Ltmp5:
0x14b: {  	v58 =	vadd.s32 v30, v2;
	v47 =	vshll.u32 v10, v17;
	v39 =	vmov s12;
	[tilespmem:v54+s23+$0x0] =	vst.idx.msk $0xffff, v53;
	v53 =	vld [tilespmem:s6+$0xFFFFFEE0];
	(pc) =	sbr.rel @p0 .LBB2_6-.Ltmp5, $4  }
0x14c: {  	v49 =	vshrl.u32 v41, $0x3;
	v52 =	vshrl.u32 v13, $0x3;
	[tilespmem:v59+s23+$0x0] =	vst.idx.msk $0xffff, v57;
	v54 =	vld [tilespmem:s6+$0xFFFFFF00];
	v59 =	vadd.s32 v32, v3  }
0x14d: {  	v45 =	vshrl.u32 v42, $0x3;
	v44 =	vshrl.u32 v55, $0x3;
	[tilespmem:v60+s23+$0x0] =	vst.idx.msk $0xffff, v12;
	v55 =	vld [tilespmem:s6+$0xFFFFFF20];
	v60 =	vadd.s32 v18, v40  }
0x14e: {  	v61 =	vadd.s32 v20, v0;
	v43 =	vshrl.u32 v56, $0x3;
	v41 =	vshrl.u32 v1, $0x3;
	[tilespmem:v16+s23+$0x0] =	vst.idx.msk $0xffff, v15;
	v56 =	vld [tilespmem:s6+$0xFFFFFF40]  }
0x14f: {  	v42 =	vshrl.u32 v9, $0x3;
	s12 =	sadd.s32 $0xF, s8;
	s8 =	sadd.s32 $0x10, s8;
	v40 =	vshrl.u32 v11, $0x3;
	[tilespmem:v63+s23+$0x0] =	vst.idx.msk $0xffff, v62;
	v57 =	vld [tilespmem:s6+$0xFFFFFF60];
	v62 =	vadd.s32 v22, v8  }
0x150: {  	_ =	sdelay $0x2  }
0x151: {  	v0 =	vmov s12;
	v1 =	vshrl.u32 v50, $0x3;
	v3 =	vadd.s32 v24, v34  }
0x152: {  	[tilespmem:v58+s23+$0x0] =	vst.idx.msk $0xffff, v53;
	v2 =	vld [tilespmem:s6+$0xFFFFFF80];
	v8 =	vshrl.u32 v51, $0x3;
	v10 =	vadd.s32 v26, v35;
	v11 =	vshrl.u32 v46, $0x3  }
0x153: {  	v9 =	vld [tilespmem:s6+$0xFFFFFFA0];
	v13 =	vadd.s32 v28, v36;
	v15 =	vshrl.u32 v48, $0x3;
	v53 =	vadd.s32 v30, v37;
	[tilespmem:v59+s23+$0x0] =	vst.idx.msk $0xffff, v54  }
0x154: {  	v12 =	vld [tilespmem:s6+$0xFFFFFFC0];
	v34 =	vbroadcast v47, $0x0;
	v33 =	vadd.s32 v18, v33;
	v44 =	vshll.u32 v44, v17;
	[tilespmem:v60+s23+$0x0] =	vst.idx.msk $0xffff, v55  }
0x155: {  	v16 =	vld [tilespmem:s6+$0xFFFFFFE0];
	v43 =	vshll.u32 v43, v17;
	v0 =	vshrl.u32 v0, $0x3;
	v44 =	vbroadcast v44, $0x0;
	[tilespmem:v61+s23+$0x0] =	vst.idx.msk $0xffff, v56  }
0x156: {  	s13 =	sadd.s32 $0x200, s6;
	v54 =	vshll.u32 v52, v17;
	v43 =	vbroadcast v43, $0x0;
	v0 =	vshll.u32 v0, v17;
	v55 =	vld [tilespmem:s6+$0xFFFFFE20];
	[tilespmem:v62+s23+$0x0] =	vst.idx.msk $0xffff, v57  }
0x157: {  	v63 =	vld [tilespmem:s13+$0xFFFFFE90];
	v36 =	vbroadcast v54, $0x0;
	v56 =	vshll.u32 v49, v17;
	v49 =	vadd.s32 v25, v44;
	[tilespmem:v3+s23+$0x0] =	vst.idx.msk $0xffff, v2  }
0x158: {  	v45 =	vshll.u32 v45, v17;
	v51 =	vld [tilespmem:s13+$0xFFFFFEB0];
	v0 =	vbroadcast v0, $0x0;
	v52 =	vadd.s32 v27, v43;
	[tilespmem:v10+s23+$0x0] =	vst.idx.msk $0xffff, v9  }
0x159: {  	v38 =	vshrl.u32 v38, $0x3;
	v41 =	vshll.u32 v41, v17;
	v60 =	vld [tilespmem:s13+$0xFFFFFE30];
	v61 =	vadd.s32 v19, v36;
	[tilespmem:v13+s23+$0x0] =	vst.idx.msk $0xffff, v12  }
0x15a: {  	v40 =	vshll.u32 v40, v17;
	v57 =	vld [tilespmem:s13+$0xFFFFFFF0];
	v46 =	vbroadcast v56, $0x0;
	v58 =	vadd.s32 v31, v0;
	[tilespmem:v53+s23+$0x0] =	vst.idx.msk $0xffff, v16  }
0x15b: {  	v59 =	vld [tilespmem:s13+$0xFFFFFE10];
	v45 =	vbroadcast v45, $0x0;
	v1 =	vshll.u32 v1, v17;
	v3 =	vadd.s32 v14, v34;
	[tilespmem:v33+s23+$0x0] =	vst.idx.msk $0xffff, v55  }
0x15c: {  	v40 =	vbroadcast v40, $0x0;
	v8 =	vshll.u32 v8, v17;
	v12 =	vld [tilespmem:s13+$0xFFFFFE50];
	v13 =	vadd.s32 v21, v46;
	[tilespmem:v49+s23+$0x0] =	vst.idx.msk $0xffff, v63  }
0x15d: {  	v15 =	vshll.u32 v15, v17;
	v1 =	vbroadcast v1, $0x0;
	v62 =	vadd.s32 v23, v45;
	v16 =	vld [tilespmem:s13+$0xFFFFFE70];
	[tilespmem:v52+s23+$0x0] =	vst.idx.msk $0xffff, v51  }
0x15e: {  	v54 =	vld [tilespmem:s13+$0xFFFFFF10];
	v8 =	vbroadcast v8, $0x0;
	v2 =	vbroadcast v41, $0x0;
	v55 =	vadd.s32 v14, v40;
	[tilespmem:v61+s23+$0x0] =	vst.idx.msk $0xffff, v60  }
0x15f: {  	v56 =	vld [tilespmem:s13+$0xFFFFFF30];
	v10 =	vbroadcast v15, $0x0;
	v15 =	vshll.u32 v38, v17;
	[tilespmem:v58+s23+$0x0] =	vst.idx.msk $0xffff, v57;
	v57 =	vadd.s32 v19, v1  }
0x160: {  	v39 =	vshrl.u32 v39, $0x3;
	v15 =	vbroadcast v15, $0x0;
	[tilespmem:v3+s23+$0x0] =	vst.idx.msk $0xffff, v59;
	v58 =	vld [tilespmem:s13+$0xFFFFFF50];
	v59 =	vadd.s32 v21, v8  }
0x161: {  	v60 =	vshll.u32 v39, v17;
	[tilespmem:v13+s23+$0x0] =	vst.idx.msk $0xffff, v12;
	v12 =	vld [tilespmem:s13+$0xFFFFFED0];
	v13 =	vadd.s32 v29, v2  }
0x162: {  	v63 =	vadd.s32 v27, v15;
	v3 =	vshll.u32 v42, v17;
	[tilespmem:v62+s23+$0x0] =	vst.idx.msk $0xffff, v16;
	v38 =	vbroadcast v60, $0x0;
	v62 =	vld [tilespmem:s13+$0xFFFFFFB0]  }
0x163: {  	v11 =	vshll.u32 v11, v17;
	v0 =	vadd.s32 v32, v0;
	v50 =	vld [tilespmem:s13+$0x0];
	v3 =	vbroadcast v3, $0x0;
	[tilespmem:v55+s23+$0x0] =	vst.idx.msk $0xffff, v54  }
0x164: {  	v48 =	vld [tilespmem:s13+$0xFFFFFFD0];
	v11 =	vbroadcast v11, $0x0;
	v49 =	vadd.s32 v29, v38;
	[tilespmem:v57+s23+$0x0] =	vst.idx.msk $0xffff, v56  }
0x165: {  	v16 =	vld [tilespmem:s13+$0xFFFFFEF0];
	v53 =	vadd.s32 v31, v3;
	[tilespmem:v59+s23+$0x0] =	vst.idx.msk $0xffff, v58  }
0x166: {  	[tilespmem:v13+s23+$0x0] =	vst.idx.msk $0xffff, v12;
	v12 =	vld [tilespmem:s13+$0xFFFFFF70];
	v13 =	vadd.s32 v23, v11  }
0x167: {  	v52 =	vadd.s32 v22, v46;
	v51 =	vld [tilespmem:s13+$0xFFFFFE60];
	[tilespmem:v63+s23+$0x0] =	vst.idx.msk $0xffff, v62  }
0x168: {  	v54 =	vld [tilespmem:s13+$0xFFFFFEC0];
	v55 =	vadd.s32 v28, v43;
	[tilespmem:v0+s23+$0x0] =	vst.idx.msk $0xffff, v50  }
0x169: {  	v36 =	vadd.s32 v20, v36;
	v50 =	vld [tilespmem:s13+$0xFFFFFE40];
	[tilespmem:v49+s23+$0x0] =	vst.idx.msk $0xffff, v48  }
0x16a: {  	v61 =	vadd.s32 v25, v10;
	[tilespmem:v53+s23+$0x0] =	vst.idx.msk $0xffff, v16;
	v16 =	vld [tilespmem:s13+$0xFFFFFF90]  }
0x16b: {  	[tilespmem:v13+s23+$0x0] =	vst.idx.msk $0xffff, v12;
	v12 =	vld [tilespmem:s13+$0xFFFFFE80];
	v13 =	vadd.s32 v24, v45  }
0x16c: {  	v2 =	vadd.s32 v30, v2;
	v56 =	vld [tilespmem:s13+$0xFFFFFEE0];
	[tilespmem:v52+s23+$0x0] =	vst.idx.msk $0xffff, v51  }
0x16d: {  	v3 =	vadd.s32 v32, v3;
	[tilespmem:v55+s23+$0x0] =	vst.idx.msk $0xffff, v54;
	v57 =	vld [tilespmem:s13+$0xFFFFFF00]  }
0x16e: {  	v11 =	vadd.s32 v24, v11;
	[tilespmem:v36+s23+$0x0] =	vst.idx.msk $0xffff, v50;
	v59 =	vld [tilespmem:s13+$0xFFFFFF80]  }
0x16f: {  	v53 =	vadd.s32 v26, v44;
	[tilespmem:v61+s23+$0x0] =	vst.idx.msk $0xffff, v16;
	v16 =	vld [tilespmem:s13+$0xFFFFFEA0]  }
0x170: {  	v58 =	vld [tilespmem:s13+$0xFFFFFF20];
	[tilespmem:v13+s23+$0x0] =	vst.idx.msk $0xffff, v12;
	v12 =	vadd.s32 v18, v40  }
0x171: {  	v1 =	vadd.s32 v20, v1;
	[tilespmem:v2+s23+$0x0] =	vst.idx.msk $0xffff, v56;
	v13 =	vld [tilespmem:s13+$0xFFFFFF40]  }
0x172: {  	v62 =	vadd.s32 v28, v15;
	v61 =	vld [tilespmem:s13+$0xFFFFFFC0];
	[tilespmem:v3+s23+$0x0] =	vst.idx.msk $0xffff, v57  }
0x173: {  	v60 =	vld [tilespmem:s13+$0xFFFFFFA0];
	v3 =	vadd.s32 v26, v10;
	[tilespmem:v11+s23+$0x0] =	vst.idx.msk $0xffff, v59  }
0x174: {  	v8 =	vadd.s32 v22, v8;
	[tilespmem:v53+s23+$0x0] =	vst.idx.msk $0xffff, v16;
	v16 =	vld [tilespmem:s13+$0xFFFFFF60]  }
0x175: {  	v63 =	vld [tilespmem:s13+$0xFFFFFFE0];
	[tilespmem:v12+s23+$0x0] =	vst.idx.msk $0xffff, v58;
	v12 =	vadd.s32 v30, v38  }
0x176: {  	v15 =	vadd.s32 v18, v34;
	[tilespmem:v1+s23+$0x0] =	vst.idx.msk $0xffff, v13;
	v13 =	vld [tilespmem:s13+$0xFFFFFE20]  }
0x177: {  	[tilespmem:v62+s23+$0x0] =	vst.idx.msk $0xffff, v61  }
0x178: {  	[tilespmem:v3+s23+$0x0] =	vst.idx.msk $0xffff, v60  }
0x179: {  	[tilespmem:v8+s23+$0x0] =	vst.idx.msk $0xffff, v16  }
0x17a: {  	s4 =	sor.u32 $0x10000, s4;
	[tilespmem:v12+s23+$0x0] =	vst.idx.msk $0xffff, v63  }
0x17b: {  	s4 =	sadd.s32 s1, s4;
	[tilespmem:v15+s23+$0x0] =	vst.idx.msk $0xffff, v13  }
0x17c: {  	[hbm4b:s4+s2] =	stream.linear.scatter [tilespmem:s23], [sflag:$0x4], $0x80, $0x38;
	[tilespmem:$0x5F00] =	vst v63  }
0x17d: {  	s8 =	simm.s32 $0x4E88;
	s16 =	sadd.s32 $0x10, s4  }
0x17e: {  	[hbm4b:s16+s2] =	stream.linear.scatter [tilespmem:s8], [sflag:$0x4], $0x80, $0x38;
	[tilespmem:$0x5F00] =	vst v63  }
0x17f: {  	s12 =	simm.s32 $0x4F10;
	s8 =	sadd.s32 $0x20, s4  }
0x180: {  	[hbm4b:s8+s2] =	stream.linear.scatter [tilespmem:s12], [sflag:$0x4], $0x80, $0x38;
	[tilespmem:$0x5F00] =	vst v63  }
0x181: {  	s13 =	sadd.s32 $0x30, s4;
	s16 =	simm.s32 $0x4F98  }
0x182: {  	[hbm4b:s13+s2] =	stream.linear.scatter [tilespmem:s16], [sflag:$0x4], $0x80, $0x38;
	[tilespmem:$0x5F00] =	vst v63  }
0x183: {  	s8 =	sadd.s32 $0x40, s4;
	s12 =	simm.s32 $0x5020  }
0x184: {  	[hbm4b:s8+s2] =	stream.linear.scatter [tilespmem:s12], [sflag:$0x4], $0x80, $0x38;
	[tilespmem:$0x5F00] =	vst v63  }
0x185: {  	s13 =	sadd.s32 $0x50, s4;
	s16 =	simm.s32 $0x50A8  }
0x186: {  	[hbm4b:s13+s2] =	stream.linear.scatter [tilespmem:s16], [sflag:$0x4], $0x80, $0x38;
	[tilespmem:$0x5F00] =	vst v63  }
0x187: {  	s8 =	sadd.s32 $0x60, s4;
	s12 =	simm.s32 $0x5130  }
0x188: {  	[hbm4b:s8+s2] =	stream.linear.scatter [tilespmem:s12], [sflag:$0x4], $0x80, $0x38;
	[tilespmem:$0x5F00] =	vst v63  }
0x189: {  	s13 =	sadd.s32 $0x70, s4;
	s16 =	simm.s32 $0x51B8  }
0x18a: {  	[hbm4b:s13+s2] =	stream.linear.scatter [tilespmem:s16], [sflag:$0x4], $0x80, $0x38;
	[tilespmem:$0x5F00] =	vst v63  }
0x18b: {  	s8 =	sadd.s32 $0x4000, s4;
	s12 =	simm.s32 $0x5240  }
0x18c: {  	[hbm4b:s8+s2] =	stream.linear.scatter [tilespmem:s12], [sflag:$0x4], $0x80, $0x38;
	[tilespmem:$0x5F00] =	vst v63  }
0x18d: {  	s13 =	sadd.s32 $0x4010, s4;
	s16 =	simm.s32 $0x52C8  }
0x18e: {  	[hbm4b:s13+s2] =	stream.linear.scatter [tilespmem:s16], [sflag:$0x4], $0x80, $0x38;
	[tilespmem:$0x5F00] =	vst v63  }
0x18f: {  	s8 =	sadd.s32 $0x4020, s4;
	s12 =	simm.s32 $0x5350  }
0x190: {  	[hbm4b:s8+s2] =	stream.linear.scatter [tilespmem:s12], [sflag:$0x4], $0x80, $0x38;
	[tilespmem:$0x5F00] =	vst v63  }
0x191: {  	s13 =	sadd.s32 $0x4030, s4;
	s16 =	simm.s32 $0x53D8  }
0x192: {  	[hbm4b:s13+s2] =	stream.linear.scatter [tilespmem:s16], [sflag:$0x4], $0x80, $0x38;
	[tilespmem:$0x5F00] =	vst v63  }
0x193: {  	s8 =	sadd.s32 $0x4040, s4;
	s12 =	simm.s32 $0x5460  }
0x194: {  	[hbm4b:s8+s2] =	stream.linear.scatter [tilespmem:s12], [sflag:$0x4], $0x80, $0x38;
	[tilespmem:$0x5F00] =	vst v63  }
0x195: {  	s13 =	sadd.s32 $0x4050, s4;
	s16 =	simm.s32 $0x54E8  }
0x196: {  	[hbm4b:s13+s2] =	stream.linear.scatter [tilespmem:s16], [sflag:$0x4], $0x80, $0x38;
	[tilespmem:$0x5F00] =	vst v63  }
0x197: {  	s8 =	sadd.s32 $0x4060, s4;
	s12 =	simm.s32 $0x5570  }
0x198: {  	[hbm4b:s8+s2] =	stream.linear.scatter [tilespmem:s12], [sflag:$0x4], $0x80, $0x38;
	[tilespmem:$0x5F00] =	vst v63  }
0x199: {  	s13 =	sadd.s32 $0x4070, s4;
	s16 =	simm.s32 $0x55F8  }
0x19a: {  	[hbm4b:s13+s2] =	stream.linear.scatter [tilespmem:s16], [sflag:$0x4], $0x80, $0x38;
	[tilespmem:$0x5F00] =	vst v63  }
0x19b: {  	s8 =	sadd.s32 $0x8000, s4;
	s12 =	simm.s32 $0x5680  }
0x19c: {  	[hbm4b:s8+s2] =	stream.linear.scatter [tilespmem:s12], [sflag:$0x4], $0x80, $0x38;
	[tilespmem:$0x5F00] =	vst v63  }
0x19d: {  	s13 =	sadd.s32 $0x8010, s4;
	s16 =	simm.s32 $0x5708  }
0x19e: {  	[hbm4b:s13+s2] =	stream.linear.scatter [tilespmem:s16], [sflag:$0x4], $0x80, $0x38;
	[tilespmem:$0x5F00] =	vst v63  }
0x19f: {  	s8 =	sadd.s32 $0x8020, s4;
	s12 =	simm.s32 $0x5790  }
0x1a0: {  	[hbm4b:s8+s2] =	stream.linear.scatter [tilespmem:s12], [sflag:$0x4], $0x80, $0x38;
	[tilespmem:$0x5F00] =	vst v63  }
0x1a1: {  	s13 =	sadd.s32 $0x8030, s4;
	s16 =	simm.s32 $0x5818  }
0x1a2: {  	[hbm4b:s13+s2] =	stream.linear.scatter [tilespmem:s16], [sflag:$0x4], $0x80, $0x38;
	[tilespmem:$0x5F00] =	vst v63  }
0x1a3: {  	s12 =	sadd.s32 $0x8040, s4  }
0x1a4: {  	[hbm4b:s12+s2] =	stream.linear.scatter [tilespmem:s18], [sflag:$0x4], $0x80, $0x38;
	[tilespmem:$0x5F00] =	vst v63  }
0x1a5: {  	s13 =	sadd.s32 $0x8050, s4  }
0x1a6: {  	[hbm4b:s13+s2] =	stream.linear.scatter [tilespmem:s19], [sflag:$0x4], $0x80, $0x38;
	[tilespmem:$0x5F00] =	vst v63  }
0x1a7: {  	s16 =	sadd.s32 $0x8060, s4  }
0x1a8: {  	[hbm4b:s16+s2] =	stream.linear.scatter [tilespmem:s20], [sflag:$0x4], $0x80, $0x38;
	[tilespmem:$0x5F00] =	vst v63  }
0x1a9: {  	s8 =	sadd.s32 $0x8070, s4  }
0x1aa: {  	[hbm4b:s8+s2] =	stream.linear.scatter [tilespmem:s21], [sflag:$0x4], $0x80, $0x38;
	[tilespmem:$0x5F00] =	vst v63  }
0x1ab: {  	s12 =	sadd.s32 $0xC000, s4  }
0x1ac: {  	[hbm4b:s12+s2] =	stream.linear.scatter [tilespmem:s24], [sflag:$0x4], $0x80, $0x38;
	[tilespmem:$0x5F00] =	vst v63  }
0x1ad: {  	s13 =	sadd.s32 $0xC010, s4  }
0x1ae: {  	[hbm4b:s13+s2] =	stream.linear.scatter [tilespmem:s25], [sflag:$0x4], $0x80, $0x38;
	[tilespmem:$0x5F00] =	vst v63  }
0x1af: {  	s16 =	sadd.s32 $0xC020, s4  }
0x1b0: {  	[hbm4b:s16+s2] =	stream.linear.scatter [tilespmem:s9], [sflag:$0x4], $0x80, $0x38;
	[tilespmem:$0x5F00] =	vst v63  }
0x1b1: {  	s8 =	sadd.s32 $0xC030, s4  }
0x1b2: {  	[hbm4b:s8+s2] =	stream.linear.scatter [tilespmem:s26], [sflag:$0x4], $0x80, $0x38;
	[tilespmem:$0x5F00] =	vst v63  }
0x1b3: {  	s12 =	sadd.s32 $0xC040, s4  }
0x1b4: {  	[hbm4b:s12+s2] =	stream.linear.scatter [tilespmem:s28], [sflag:$0x4], $0x80, $0x38;
	[tilespmem:$0x5F00] =	vst v63  }
0x1b5: {  	s13 =	sadd.s32 $0xC050, s4  }
0x1b6: {  	[hbm4b:s13+s2] =	stream.linear.scatter [tilespmem:s29], [sflag:$0x4], $0x80, $0x38;
	[tilespmem:$0x5F00] =	vst v63  }
.Ltmp6:
0x1b7: {  	_ = 	snop;
	(pc) =	sbr.rel @p1 .LBB2_9-.Ltmp6, $4  }
0x1b8: {  	s16 =	sadd.s32 $0xC060, s4  }
0x1b9: {  	[hbm4b:s16+s2] =	stream.linear.scatter [tilespmem:s30], [sflag:$0x4], $0x80, $0x38;
	[tilespmem:$0x5F00] =	vst v63  }
0x1ba: {  	s4 =	sadd.s32 $0xC070, s4  }
0x1bb: {  	[hbm4b:s4+s2] =	stream.linear.scatter [tilespmem:s31], [sflag:$0x4], $0x80, $0x38;
	[tilespmem:$0x5F00] =	vst v63  }
0x1bc: {  	s4 =	sadd.s32 $0x3, s11  }
0x1bd: {  	v2 =	vld [tilespmem:$0x1FF40];
	v0 =	vmov s4  }
0x1be: {  	v3 =	vld [tilespmem:$0x1FF50];
	v0 =	vand.u32 $0x7F, v0  }
0x1bf: {  	v8 =	vld [tilespmem:$0x1FF60];
	v1 =	vadd.s32 v4, v0  }
0x1c0: {  	v9 =	vld [tilespmem:$0x1FF70];
	v10 =	vadd.s32 v5, v0  }
0x1c1: {  	v11 =	vadd.s32 v6, v0  }
0x1c2: {  	v2 =	vadd.s32 v2, v0  }
0x1c3: {  	v3 =	vadd.s32 v3, v0  }
0x1c4: {  	v8 =	vadd.s32 v8, v0;
	v1 =	vld.idx.msk [tilespmem:v1+s2+$0x0], $0xffff  }
0x1c5: {  	v9 =	vadd.s32 v9, v0;
	v62 =	vld.idx.msk [tilespmem:v10+s2+$0x0], $0xffff  }
0x1c6: {  	v0 =	vadd.s32 v7, v0;
	v63 =	vld.idx.msk [tilespmem:v11+s2+$0x0], $0xffff  }
0x1c7: {  	v2 =	vld.idx.msk [tilespmem:v2+s2+$0x0], $0xffff  }
0x1c8: {  	v3 =	vld.idx.msk [tilespmem:v3+s2+$0x0], $0xffff  }
0x1c9: {  	v8 =	vld.idx.msk [tilespmem:v8+s2+$0x0], $0xffff;
	[tilespmem:$0x1C80] =	vst v1  }
0x1ca: {  	v9 =	vld.idx.msk [tilespmem:v9+s2+$0x0], $0xffff;
	[tilespmem:$0x1CD0] =	vst v62  }
0x1cb: {  	v0 =	vld.idx.msk [tilespmem:v0+s2+$0x0], $0xffff;
	[tilespmem:$0x1CE0] =	vst v63  }
0x1cc: {  	[tilespmem:$0x1C90] =	vst v2  }
.Ltmp7:
0x1cd: {  	[tilespmem:$0x1CA0] =	vst v3;
	(pc) =	sbr.rel .LBB2_3-.Ltmp7, $4  }
0x1ce: {  	[tilespmem:$0x1CB0] =	vst v8  }
0x1cf: {  	[tilespmem:$0x1CC0] =	vst v9  }
0x1d0: {  	s16 =	simm.s32 $0x1C80;
	s6 =	simm.s32 $0x2D00;
	s10 =	sadd.s32 $0x1, s10;
	[tilespmem:$0x1CF0] =	vst v0  }
0x1d1: {  	[tilespmem:s6], [sflag:$0x2] =	stream.indirect.gather [hbm4b:s5+s17], $0x20, s16, s17, $0xb8;
	[tilespmem:$0x5F00] =	vst v63  }
.LBB2_11:
0x1d2: {  	_ =	sfence.sel $0x180000  }
0x1d3: {  	[bflag:$0x0] =	sbarrier.arrive $0xFFFF  }
0x1d4: {  	_ =	strace $0x90000047  }
0x1d5: {  	s0 =	stileid.u32;
	[bflag:$0x2] =	sbarrier.arrive $0xFFFF  }
0x1d6: {  	p0 =	sne.s32 s0, $0x0;
	s0 =	rddreg [dreg:$0x2]  }
0x1d7: {  	s0 =	sadd.s32 @!p0 $0x100000, s0  }
0x1d8: {  	[sflag:s0] =	ssyncadd.tile.s32 @!p0 $0x1;
	_ =	shalt  }
.Lfunc_end2:
_tile_overlayer_lowered:
.L_overlay_start_2:
0x1d9: {  	(tag) =	ssettag $0x2  }
0x1da: {  	s0 =	rddreg [dreg:$0x0];
	s2 =	stileid.u32  }
0x1db: {  	s1 =	rddreg [dreg:$0x1];
	p0 =	sne.s32 s2, $0x0  }
0x1dc: {  	s3 =	rddreg [dreg:$0x2];
	[bflag:$0x3] =	sbarrier.arrive $0xFFFF;
	s2 =	simm.s32 @!p0 $0x1C05  }
0x1dd: {  	[timem:s3], [sflag:s2] =	dma.local @!p0 [hbm:s0], s1  }
0x1de: {  	s0 =	simm.s32 @!p0 $0x5  }
0x1df: {  	_ =	swait.ge @!p0 [sflag:s0], s1  }
0x1e0: {  	s1 =	ssub.s32 @!p0 $0x0, s1;
	[sflag:s0] =	ssyncset.done @!p0 $0x0  }
0x1e1: {  	[sflag:s0] =	ssyncadd.s32 @!p0 s1  }
0x1e2: {  	[bflag:$0x3] =	sbarrier.arrive $0xFFFF  }
0x1e3: {  	_ =	shalt  }

</sc_bundles>
